<compile_context>
chip_gen: v7x
topology: tpu7x:2x2x1
jax: 0.10.2.dev20260603
libtpu: 0.0.44.dev20260713+nightly
codegen_flags: <defaults>
</compile_context>

<pallas_src>
import functools

import jax
import jax.numpy as jnp
from jax import lax
from jax.experimental import pallas as pl
from jax.experimental.pallas import tpu as pltpu
from jax.experimental.pallas import tpu_sc as plsc

_B = 4096
_L = 200
_D = 32
_NC = 2
_NS = 16
_NW = _NC * _NS
_BPW = _B // _NW


def _sc_gather_pool(seq_flat, tgt, uid, item_table, user_table):
    mesh = plsc.VectorSubcoreMesh(core_axis_name="c", subcore_axis_name="s")

    @functools.partial(
        pl.kernel,
        out_type=(
            jax.ShapeDtypeStruct((_B, _D), jnp.float32),
            jax.ShapeDtypeStruct((_B, _D), jnp.float32),
            jax.ShapeDtypeStruct((_B, _D), jnp.float32),
        ),
        mesh=mesh,
        compiler_params=pltpu.CompilerParams(use_tc_tiling_on_sc=False),
        scratch_types=(
            pltpu.VMEM((_BPW, _L), jnp.int32),
            pltpu.VMEM((_L, _D), jnp.float32),
            pltpu.VMEM((_L, _D), jnp.float32),
            pltpu.VMEM((_BPW, _D), jnp.float32),
            pltpu.VMEM((_BPW,), jnp.int32),
            pltpu.VMEM((_BPW, _D), jnp.float32),
            pltpu.VMEM((_BPW,), jnp.int32),
            pltpu.VMEM((_BPW, _D), jnp.float32),
            pltpu.SemaphoreType.DMA,
            pltpu.SemaphoreType.DMA,
            pltpu.SemaphoreType.DMA,
            pltpu.SemaphoreType.DMA,
        ),
    )
    def k(seq_ref, tgt_ref, uid_ref, item_ref, user_ref,
          pooled_out, trow_out, urow_out,
          idx_v, rows0_v, rows1_v, pooled_v, tidx_v, trows_v, uidx_v, urows_v,
          sem0, sem1, sem_t, sem_u):
        wid = lax.axis_index("s") * _NC + lax.axis_index("c")
        base = pl.multiple_of(wid * _BPW, _BPW)

        pltpu.sync_copy(seq_ref.at[pl.ds(base, _BPW), :], idx_v)
        pltpu.sync_copy(tgt_ref.at[pl.ds(base, _BPW)], tidx_v)
        pltpu.sync_copy(uid_ref.at[pl.ds(base, _BPW)], uidx_v)
        tcp = pltpu.async_copy(item_ref.at[tidx_v], trows_v, sem_t)
        ucp = pltpu.async_copy(user_ref.at[uidx_v], urows_v, sem_u)

        inv_l = jnp.float32(1.0 / _L)

        def issue(row, buf, sem):
            pltpu.async_copy(item_ref.at[idx_v.at[row, pl.ds(0, 96)]],
                             buf.at[pl.ds(0, 96)], sem)
            pltpu.async_copy(item_ref.at[idx_v.at[row, pl.ds(96, 104)]],
                             buf.at[pl.ds(96, 104)], sem)

        def wait_buf(buf, sem):
            pltpu.make_async_copy(item_ref.at[pl.ds(0, _L), :], buf, sem).wait()

        def accumulate(row, buf):
            def acc8(j2, a):
                a0, a1, b0, b1 = a
                j = pl.multiple_of(j2 * 8, 8)
                for t in range(8):
                    lo = buf[j + t, pl.ds(0, 16)]
                    hi = buf[j + t, pl.ds(16, 16)]
                    if t % 2 == 0:
                        a0 = a0 + lo
                        a1 = a1 + hi
                    else:
                        b0 = b0 + lo
                        b1 = b1 + hi
                return (a0, a1, b0, b1)

            z = jnp.zeros((16,), jnp.float32)
            a0, a1, b0, b1 = lax.fori_loop(0, _L // 8, acc8, (z, z, z, z))
            pooled_v[row, pl.ds(0, 16)] = (a0 + b0) * inv_l
            pooled_v[row, pl.ds(16, 16)] = (a1 + b1) * inv_l

        issue(0, rows0_v, sem0)
        issue(1, rows1_v, sem1)

        def pair_body(r2, carry):
            r = r2 * 2
            wait_buf(rows0_v, sem0)
            accumulate(r, rows0_v)

            @pl.when(r2 < _BPW // 2 - 1)
            def _():
                issue(r + 2, rows0_v, sem0)

            wait_buf(rows1_v, sem1)
            accumulate(r + 1, rows1_v)

            @pl.when(r2 < _BPW // 2 - 1)
            def _():
                issue(r + 3, rows1_v, sem1)

            return carry

        lax.fori_loop(0, _BPW // 2, pair_body, 0)

        tcp.wait()
        ucp.wait()
        pltpu.sync_copy(pooled_v, pooled_out.at[pl.ds(base, _BPW), :])
        pltpu.sync_copy(trows_v, trow_out.at[pl.ds(base, _BPW), :])
        pltpu.sync_copy(urows_v, urow_out.at[pl.ds(base, _BPW), :])

    return k(seq_flat, tgt, uid, item_table, user_table)


def _tc_head(pooled, trow, urow, W1, b1, gamma, beta, W2, b2):
    def body(p_ref, t_ref, u_ref, w1_ref, b1_ref, g_ref, be_ref,
             w2_ref, b2_ref, o_ref):
        w1 = w1_ref[...]
        dn = (((1,), (1,)), ((), ()))
        h = lax.dot_general(p_ref[...], w1[:, 0:32], dn,
                            precision=lax.Precision.HIGHEST)
        h = h + lax.dot_general(t_ref[...], w1[:, 32:64], dn,
                                precision=lax.Precision.HIGHEST)
        h = h + lax.dot_general(u_ref[...], w1[:, 64:96], dn,
                                precision=lax.Precision.HIGHEST)
        h = h + b1_ref[...]
        mu = jnp.mean(h, axis=0, keepdims=True)
        d = h - mu
        var = jnp.mean(d * d, axis=0, keepdims=True)
        hn = d * lax.rsqrt(var + 1e-5) * g_ref[...] + be_ref[...]
        hr = jnp.maximum(hn, 0.0)
        out = jnp.sum(hr * w2_ref[...], axis=1, keepdims=True) + b2_ref[...]
        o_ref[...] = 1.0 / (1.0 + jnp.exp(-out))

    return pl.pallas_call(
        body,
        out_shape=jax.ShapeDtypeStruct((_B, 1), jnp.float32),
    )(pooled, trow, urow, W1, b1, gamma, beta, W2, b2)


def kernel(user_ids, input_seq, target_item, item_table, user_table,
           W1, b1, gamma, beta, W2, b2):
    pooled, trow, urow = _sc_gather_pool(
        input_seq, target_item, user_ids, item_table, user_table)
    return _tc_head(pooled, trow, urow, W1, b1, gamma, beta, W2, b2)

# --- scband reference (transcript-rebuilt; emitter-appended) ---
"""Pipeline reference for scband-sequence-retriever-87840671137967 (READ-ONLY COPY).

The authoritative reference and input builder live on the scoring server;
editing this copy changes nothing except your own understanding.
"""

import jax, jax.numpy as jnp
import numpy as np

NUM_USERS = 1000000
NUM_ITEMS = 1000000
DIM = 32
B = 4096
L = 200
PAD = NUM_ITEMS  # padding_idx = num_items


def setup_inputs(seed: int = 0) -> dict:
    key = jax.random.key(seed)
    ks = jax.random.split(key, 10)
    user_ids = jax.random.randint(ks[0], (B,), 0, NUM_USERS, dtype=jnp.int64 if jax.config.jax_enable_x64 else jnp.int32)
    input_seq = jax.random.randint(ks[1], (B, L), 0, NUM_ITEMS, dtype=jnp.int64 if jax.config.jax_enable_x64 else jnp.int32)
    target_item = jax.random.randint(ks[2], (B,), 0, NUM_ITEMS, dtype=jnp.int64 if jax.config.jax_enable_x64 else jnp.int32)
    item_table = jax.random.normal(ks[3], (NUM_ITEMS + 1, DIM), jnp.float32) * 0.02
    item_table = item_table.at[PAD].set(0.0)  # padding row zeroed like nn.Embedding(padding_idx)
    user_table = jax.random.normal(ks[4], (NUM_USERS, DIM), jnp.float32) * 0.02
    W1 = jax.random.normal(ks[5], (DIM, 3 * DIM), jnp.float32) * 0.02
    b1 = jnp.zeros((DIM,), jnp.float32)
    gamma = jnp.ones((DIM,), jnp.float32)
    beta = jnp.zeros((DIM,), jnp.float32)
    W2 = jax.random.normal(ks[6], (1, DIM), jnp.float32) * 0.02
    b2 = jnp.zeros((1,), jnp.float32)
    return {
        "user_ids": user_ids,
        "input_seq": input_seq,
        "target_item": target_item,
        "item_table": item_table,
        "user_table": user_table,
        "W1": W1,
        "b1": b1,
        "gamma": gamma,
        "beta": beta,
        "W2": W2,
        "b2": b2,
    }


def reference(user_ids, input_seq, target_item, item_table, user_table, W1, b1, gamma, beta, W2, b2):
    # replace_neg_one_with_padding
    input_seq = jnp.where(input_seq == -1, PAD, input_seq)
    target_item = jnp.where(target_item == -1, PAD, target_item)
    # embedding lookups (gather)
    embedded_seq = jnp.take(item_table, input_seq, axis=0)        # [B, L, D]
    pooled_seq = jnp.mean(embedded_seq, axis=1)                   # mean pooling  [B, D]
    embedded_target = jnp.take(item_table, target_item, axis=0)   # [B, D]
    user_embeddings = jnp.take(user_table, user_ids, axis=0)      # [B, D]
    combined = jnp.concatenate([pooled_seq, embedded_target, user_embeddings], axis=1)  # [B, 3D]
    # fc_rating: Linear -> BatchNorm1d (batch stats, training semantics) -> ReLU -> (Dropout=identity) -> Linear -> Sigmoid
    h = combined @ W1.T + b1
    mu = jnp.mean(h, axis=0)
    var = jnp.var(h, axis=0)
    h = (h - mu) / jnp.sqrt(var + 1e-5) * gamma + beta
    h = jax.nn.relu(h)
    out = h @ W2.T + b2
    return jax.nn.sigmoid(out)  # [B, 1]

if __name__ == "__main__":
    import jax
    _d = setup_inputs()
    print(jax.jit(kernel)(*tuple(_d.values())))

</pallas_src>

<mosaic_0001>
#map = affine_map<(d0, d1) -> (0, 0)>
#map1 = affine_map<(d0, d1) -> (0)>
module attributes {stable_mosaic.version = 14 : i64} {
  func.func @k(%arg0: i32, %arg1: i32, %arg2: memref<4096x200xi32, #tpu.memory_space<hbm>>, %arg3: memref<4096xi32, #tpu.memory_space<hbm>>, %arg4: memref<4096xi32, #tpu.memory_space<hbm>>, %arg5: memref<1000001x32xf32, #tpu.memory_space<hbm>>, %arg6: memref<1000000x32xf32, #tpu.memory_space<hbm>>, %arg7: memref<4096x32xf32, #tpu.memory_space<hbm>>, %arg8: memref<4096x32xf32, #tpu.memory_space<hbm>>, %arg9: memref<4096x32xf32, #tpu.memory_space<hbm>>, %arg10: memref<128x200xi32, #tpu.memory_space<vmem>>, %arg11: memref<200x32xf32, #tpu.memory_space<vmem>>, %arg12: memref<200x32xf32, #tpu.memory_space<vmem>>, %arg13: memref<128x32xf32, #tpu.memory_space<vmem>>, %arg14: memref<128xi32, #tpu.memory_space<vmem>>, %arg15: memref<128x32xf32, #tpu.memory_space<vmem>>, %arg16: memref<128xi32, #tpu.memory_space<vmem>>, %arg17: memref<128x32xf32, #tpu.memory_space<vmem>>, %arg18: memref<!tpu.dma_semaphore, #tpu.memory_space<semaphore_mem>>, %arg19: memref<!tpu.dma_semaphore, #tpu.memory_space<semaphore_mem>>, %arg20: memref<!tpu.dma_semaphore, #tpu.memory_space<semaphore_mem>>, %arg21: memref<!tpu.dma_semaphore, #tpu.memory_space<semaphore_mem>>) attributes {dimension_semantics = [#tpu.dimension_semantics<core_parallel>, #tpu.dimension_semantics<subcore_parallel>], iteration_bounds = array<i64: 2, 16>, scalar_prefetch = 0 : i64, scratch_operands = 12 : i64, tpu.core_type = #tpu.core_type<sc_vector_subcore>, window_params = [{transform_indices = #map}, {transform_indices = #map1}, {transform_indices = #map1}, {transform_indices = #map}, {transform_indices = #map}, {transform_indices = #map}, {transform_indices = #map}, {transform_indices = #map}]} {
    %mul3A = arith.constant 2 : i32
    %mul3A_0 = arith.muli %arg1, %mul3A : i32
    %add3A = arith.addi %mul3A_0, %arg0 : i32
    %mul3A_1 = arith.constant 128 : i32
    %mul3A_2 = arith.muli %add3A, %mul3A_1 : i32
    %multiple_of3A = tpu.assume_multiple %mul3A_2, 128 : i32
    "tpu.region"() ({
      %run_scoped3A = tpu.sem_alloc : memref<!tpu.dma_semaphore, #tpu.memory_space<semaphore_mem>>
      %dma_start3A_59 = arith.constant 0 : i32
      %dma_start3A_60 = tpu.memref_slice %arg2[%multiple_of3A, %dma_start3A_59] : memref<4096x200xi32, #tpu.memory_space<hbm>> -> memref<128x200xi32, #tpu.memory_space<hbm>>
      %dma_start3A_61 = arith.constant 0 : i32
      %dma_start3A_62 = tpu.memref_slice %arg2[%multiple_of3A, %dma_start3A_61] : memref<4096x200xi32, #tpu.memory_space<hbm>> -> memref<128x200xi32, #tpu.memory_space<hbm>>
      tpu.enqueue_dma source(%dma_start3A_62 : memref<128x200xi32, #tpu.memory_space<hbm>>) target(%arg10 : memref<128x200xi32, #tpu.memory_space<vmem>>) target_semaphore(%run_scoped3A : memref<!tpu.dma_semaphore, #tpu.memory_space<semaphore_mem>>)
      %dma_wait3A_63 = arith.constant 0 : i32
      %dma_wait3A_64 = tpu.memref_slice %arg2[%multiple_of3A, %dma_wait3A_63] : memref<4096x200xi32, #tpu.memory_space<hbm>> -> memref<128x200xi32, #tpu.memory_space<hbm>>
      %dma_wait3A_65 = arith.constant 0 : i32
      %dma_wait3A_66 = tpu.memref_slice %arg2[%multiple_of3A, %dma_wait3A_65] : memref<4096x200xi32, #tpu.memory_space<hbm>> -> memref<128x200xi32, #tpu.memory_space<hbm>>
      tpu.wait_dma2 semaphore(%run_scoped3A : memref<!tpu.dma_semaphore, #tpu.memory_space<semaphore_mem>>) src(%dma_wait3A_66 : memref<128x200xi32, #tpu.memory_space<hbm>>) dst(%arg10 : memref<128x200xi32, #tpu.memory_space<vmem>>)
      tpu.yield
    }) : () -> ()
    "tpu.region"() ({
      %run_scoped3A = tpu.sem_alloc : memref<!tpu.dma_semaphore, #tpu.memory_space<semaphore_mem>>
      %dma_start3A_59 = tpu.memref_slice %arg3[%multiple_of3A] : memref<4096xi32, #tpu.memory_space<hbm>> -> memref<128xi32, #tpu.memory_space<hbm>>
      %dma_start3A_60 = tpu.memref_slice %arg3[%multiple_of3A] : memref<4096xi32, #tpu.memory_space<hbm>> -> memref<128xi32, #tpu.memory_space<hbm>>
      tpu.enqueue_dma source(%dma_start3A_60 : memref<128xi32, #tpu.memory_space<hbm>>) target(%arg14 : memref<128xi32, #tpu.memory_space<vmem>>) target_semaphore(%run_scoped3A : memref<!tpu.dma_semaphore, #tpu.memory_space<semaphore_mem>>)
      %dma_wait3A_61 = tpu.memref_slice %arg3[%multiple_of3A] : memref<4096xi32, #tpu.memory_space<hbm>> -> memref<128xi32, #tpu.memory_space<hbm>>
      %dma_wait3A_62 = tpu.memref_slice %arg3[%multiple_of3A] : memref<4096xi32, #tpu.memory_space<hbm>> -> memref<128xi32, #tpu.memory_space<hbm>>
      tpu.wait_dma2 semaphore(%run_scoped3A : memref<!tpu.dma_semaphore, #tpu.memory_space<semaphore_mem>>) src(%dma_wait3A_62 : memref<128xi32, #tpu.memory_space<hbm>>) dst(%arg14 : memref<128xi32, #tpu.memory_space<vmem>>)
      tpu.yield
    }) : () -> ()
    "tpu.region"() ({
      %run_scoped3A = tpu.sem_alloc : memref<!tpu.dma_semaphore, #tpu.memory_space<semaphore_mem>>
      %dma_start3A_59 = tpu.memref_slice %arg4[%multiple_of3A] : memref<4096xi32, #tpu.memory_space<hbm>> -> memref<128xi32, #tpu.memory_space<hbm>>
      %dma_start3A_60 = tpu.memref_slice %arg4[%multiple_of3A] : memref<4096xi32, #tpu.memory_space<hbm>> -> memref<128xi32, #tpu.memory_space<hbm>>
      tpu.enqueue_dma source(%dma_start3A_60 : memref<128xi32, #tpu.memory_space<hbm>>) target(%arg16 : memref<128xi32, #tpu.memory_space<vmem>>) target_semaphore(%run_scoped3A : memref<!tpu.dma_semaphore, #tpu.memory_space<semaphore_mem>>)
      %dma_wait3A_61 = tpu.memref_slice %arg4[%multiple_of3A] : memref<4096xi32, #tpu.memory_space<hbm>> -> memref<128xi32, #tpu.memory_space<hbm>>
      %dma_wait3A_62 = tpu.memref_slice %arg4[%multiple_of3A] : memref<4096xi32, #tpu.memory_space<hbm>> -> memref<128xi32, #tpu.memory_space<hbm>>
      tpu.wait_dma2 semaphore(%run_scoped3A : memref<!tpu.dma_semaphore, #tpu.memory_space<semaphore_mem>>) src(%dma_wait3A_62 : memref<128xi32, #tpu.memory_space<hbm>>) dst(%arg16 : memref<128xi32, #tpu.memory_space<vmem>>)
      tpu.yield
    }) : () -> ()
    %dma_start3A = arith.constant 0 : i32
    %dma_start3A_3 = arith.constant 0 : i32
    %dma_start3A_4 = tpu.memref_slice %arg5[%dma_start3A, %dma_start3A_3] : memref<1000001x32xf32, #tpu.memory_space<hbm>> -> memref<1000001x32xf32, #tpu.memory_space<hbm>>
    tpu.enqueue_indirect_dma source(%dma_start3A_4 : memref<1000001x32xf32, #tpu.memory_space<hbm>>) target(%arg15 : memref<128x32xf32, #tpu.memory_space<vmem>>) offsets(%arg14 : memref<128xi32, #tpu.memory_space<vmem>>) semaphore(%arg20 : memref<!tpu.dma_semaphore, #tpu.memory_space<semaphore_mem>>)
    %dma_start3A_5 = arith.constant 0 : i32
    %dma_start3A_6 = arith.constant 0 : i32
    %dma_start3A_7 = tpu.memref_slice %arg6[%dma_start3A_5, %dma_start3A_6] : memref<1000000x32xf32, #tpu.memory_space<hbm>> -> memref<1000000x32xf32, #tpu.memory_space<hbm>>
    tpu.enqueue_indirect_dma source(%dma_start3A_7 : memref<1000000x32xf32, #tpu.memory_space<hbm>>) target(%arg17 : memref<128x32xf32, #tpu.memory_space<vmem>>) offsets(%arg16 : memref<128xi32, #tpu.memory_space<vmem>>) semaphore(%arg21 : memref<!tpu.dma_semaphore, #tpu.memory_space<semaphore_mem>>)
    %dma_start3A_8 = arith.constant 0 : i32
    %dma_start3A_9 = arith.constant 0 : i32
    %dma_start3A_10 = arith.constant 0 : i32
    %dma_start3A_11 = tpu.memref_slice %arg11[%dma_start3A_9, %dma_start3A_10] : memref<200x32xf32, #tpu.memory_space<vmem>> -> memref<96x32xf32, #tpu.memory_space<vmem>>
    %dma_start3A_12 = arith.constant 0 : i32
    %dma_start3A_13 = tpu.memref_slice %arg10[%dma_start3A_8, %dma_start3A_12] : memref<128x200xi32, #tpu.memory_space<vmem>> -> memref<1x96xi32, #tpu.memory_space<vmem>>
    %dma_start3A_14 = tpu.memref_squeeze %dma_start3A_13 : memref<1x96xi32, #tpu.memory_space<vmem>> -> memref<96xi32, #tpu.memory_space<vmem>>
    %dma_start3A_15 = arith.constant 0 : i32
    %dma_start3A_16 = arith.constant 0 : i32
    %dma_start3A_17 = tpu.memref_slice %arg5[%dma_start3A_15, %dma_start3A_16] : memref<1000001x32xf32, #tpu.memory_space<hbm>> -> memref<1000001x32xf32, #tpu.memory_space<hbm>>
    tpu.enqueue_indirect_dma source(%dma_start3A_17 : memref<1000001x32xf32, #tpu.memory_space<hbm>>) target(%dma_start3A_11 : memref<96x32xf32, #tpu.memory_space<vmem>>) offsets(%dma_start3A_14 : memref<96xi32, #tpu.memory_space<vmem>>) semaphore(%arg18 : memref<!tpu.dma_semaphore, #tpu.memory_space<semaphore_mem>>)
    %dma_start3A_18 = arith.constant 0 : i32
    %dma_start3A_19 = arith.constant 96 : i32
    %dma_start3A_20 = arith.constant 0 : i32
    %dma_start3A_21 = tpu.memref_slice %arg11[%dma_start3A_19, %dma_start3A_20] : memref<200x32xf32, #tpu.memory_space<vmem>> -> memref<104x32xf32, #tpu.memory_space<vmem>>
    %dma_start3A_22 = arith.constant 96 : i32
    %dma_start3A_23 = tpu.memref_slice %arg10[%dma_start3A_18, %dma_start3A_22] : memref<128x200xi32, #tpu.memory_space<vmem>> -> memref<1x104xi32, #tpu.memory_space<vmem>>
    %dma_start3A_24 = tpu.memref_squeeze %dma_start3A_23 : memref<1x104xi32, #tpu.memory_space<vmem>> -> memref<104xi32, #tpu.memory_space<vmem>>
    %dma_start3A_25 = arith.constant 0 : i32
    %dma_start3A_26 = arith.constant 0 : i32
    %dma_start3A_27 = tpu.memref_slice %arg5[%dma_start3A_25, %dma_start3A_26] : memref<1000001x32xf32, #tpu.memory_space<hbm>> -> memref<1000001x32xf32, #tpu.memory_space<hbm>>
    tpu.enqueue_indirect_dma source(%dma_start3A_27 : memref<1000001x32xf32, #tpu.memory_space<hbm>>) target(%dma_start3A_21 : memref<104x32xf32, #tpu.memory_space<vmem>>) offsets(%dma_start3A_24 : memref<104xi32, #tpu.memory_space<vmem>>) semaphore(%arg18 : memref<!tpu.dma_semaphore, #tpu.memory_space<semaphore_mem>>)
    %dma_start3A_28 = arith.constant 1 : i32
    %dma_start3A_29 = arith.constant 0 : i32
    %dma_start3A_30 = arith.constant 0 : i32
    %dma_start3A_31 = tpu.memref_slice %arg12[%dma_start3A_29, %dma_start3A_30] : memref<200x32xf32, #tpu.memory_space<vmem>> -> memref<96x32xf32, #tpu.memory_space<vmem>>
    %dma_start3A_32 = arith.constant 0 : i32
    %dma_start3A_33 = tpu.memref_slice %arg10[%dma_start3A_28, %dma_start3A_32] : memref<128x200xi32, #tpu.memory_space<vmem>> -> memref<1x96xi32, #tpu.memory_space<vmem>>
    %dma_start3A_34 = tpu.memref_squeeze %dma_start3A_33 : memref<1x96xi32, #tpu.memory_space<vmem>> -> memref<96xi32, #tpu.memory_space<vmem>>
    %dma_start3A_35 = arith.constant 0 : i32
    %dma_start3A_36 = arith.constant 0 : i32
    %dma_start3A_37 = tpu.memref_slice %arg5[%dma_start3A_35, %dma_start3A_36] : memref<1000001x32xf32, #tpu.memory_space<hbm>> -> memref<1000001x32xf32, #tpu.memory_space<hbm>>
    tpu.enqueue_indirect_dma source(%dma_start3A_37 : memref<1000001x32xf32, #tpu.memory_space<hbm>>) target(%dma_start3A_31 : memref<96x32xf32, #tpu.memory_space<vmem>>) offsets(%dma_start3A_34 : memref<96xi32, #tpu.memory_space<vmem>>) semaphore(%arg19 : memref<!tpu.dma_semaphore, #tpu.memory_space<semaphore_mem>>)
    %dma_start3A_38 = arith.constant 1 : i32
    %dma_start3A_39 = arith.constant 96 : i32
    %dma_start3A_40 = arith.constant 0 : i32
    %dma_start3A_41 = tpu.memref_slice %arg12[%dma_start3A_39, %dma_start3A_40] : memref<200x32xf32, #tpu.memory_space<vmem>> -> memref<104x32xf32, #tpu.memory_space<vmem>>
    %dma_start3A_42 = arith.constant 96 : i32
    %dma_start3A_43 = tpu.memref_slice %arg10[%dma_start3A_38, %dma_start3A_42] : memref<128x200xi32, #tpu.memory_space<vmem>> -> memref<1x104xi32, #tpu.memory_space<vmem>>
    %dma_start3A_44 = tpu.memref_squeeze %dma_start3A_43 : memref<1x104xi32, #tpu.memory_space<vmem>> -> memref<104xi32, #tpu.memory_space<vmem>>
    %dma_start3A_45 = arith.constant 0 : i32
    %dma_start3A_46 = arith.constant 0 : i32
    %dma_start3A_47 = tpu.memref_slice %arg5[%dma_start3A_45, %dma_start3A_46] : memref<1000001x32xf32, #tpu.memory_space<hbm>> -> memref<1000001x32xf32, #tpu.memory_space<hbm>>
    tpu.enqueue_indirect_dma source(%dma_start3A_47 : memref<1000001x32xf32, #tpu.memory_space<hbm>>) target(%dma_start3A_41 : memref<104x32xf32, #tpu.memory_space<vmem>>) offsets(%dma_start3A_44 : memref<104xi32, #tpu.memory_space<vmem>>) semaphore(%arg19 : memref<!tpu.dma_semaphore, #tpu.memory_space<semaphore_mem>>)
    %scan3A = arith.constant 0 : i32
    %scan3A_48 = arith.constant 5.000000e-03 : f32
    %scan3A_49 = arith.constant 0 : i32
    %scan3A_50 = arith.constant 64 : i32
    %scan3A_51 = arith.addi %scan3A_49, %scan3A_50 : i32
    %scan3A_52 = arith.constant 1 : i32
    scf.for %scan3A_59 = %scan3A_49 to %scan3A_51 step %scan3A_52  : i32 {
      %mul3A_60 = arith.constant 2 : i32
      %mul3A_61 = arith.muli %scan3A_59, %mul3A_60 : i32
      %dma_wait3A_62 = arith.constant 0 : i32
      %dma_wait3A_63 = arith.constant 0 : i32
      %dma_wait3A_64 = tpu.memref_slice %arg5[%dma_wait3A_62, %dma_wait3A_63] : memref<1000001x32xf32, #tpu.memory_space<hbm>> -> memref<200x32xf32, #tpu.memory_space<hbm>>
      %dma_wait3A_65 = arith.constant 0 : i32
      %dma_wait3A_66 = arith.constant 0 : i32
      %dma_wait3A_67 = tpu.memref_slice %arg5[%dma_wait3A_65, %dma_wait3A_66] : memref<1000001x32xf32, #tpu.memory_space<hbm>> -> memref<200x32xf32, #tpu.memory_space<hbm>>
      tpu.wait_dma2 semaphore(%arg18 : memref<!tpu.dma_semaphore, #tpu.memory_space<semaphore_mem>>) src(%dma_wait3A_67 : memref<200x32xf32, #tpu.memory_space<hbm>>) dst(%arg11 : memref<200x32xf32, #tpu.memory_space<vmem>>)
      %broadcast_in_dim3A = arith.constant 0.000000e+00 : f32
      %broadcast_in_dim3A_68 = vector.broadcast %broadcast_in_dim3A : f32 to vector<16xf32>
      %scan3A_69 = arith.constant 0 : i32
      %scan3A_70 = arith.constant 25 : i32
      %scan3A_71 = arith.addi %scan3A_69, %scan3A_70 : i32
      %scan3A_72 = arith.constant 1 : i32
      %scan3A_73:4 = scf.for %scan3A_129 = %scan3A_69 to %scan3A_71 step %scan3A_72 iter_args(%scan3A_130 = %broadcast_in_dim3A_68, %scan3A_131 = %broadcast_in_dim3A_68, %scan3A_132 = %broadcast_in_dim3A_68, %scan3A_133 = %broadcast_in_dim3A_68) -> (vector<16xf32>, vector<16xf32>, vector<16xf32>, vector<16xf32>)  : i32 {
        %mul3A_134 = arith.constant 8 : i32
        %mul3A_135 = arith.muli %scan3A_129, %mul3A_134 : i32
        %multiple_of3A_136 = tpu.assume_multiple %mul3A_135, 8 : i32
        %add3A_137 = arith.constant 0 : i32
        %add3A_138 = arith.addi %multiple_of3A_136, %add3A_137 : i32
        %get3A = arith.index_cast %add3A_138 : i32 to index
        %get3A_139 = arith.constant 0 : index
        %get3A_140 = tpu.vector_load %arg11[%get3A, %get3A_139] {strides = array<i32>} : memref<200x32xf32, #tpu.memory_space<vmem>>, vector<1x16xf32>,
        %get3A_141 = vector.shape_cast %get3A_140 : vector<1x16xf32> to vector<16xf32>
        %add3A_142 = arith.constant 0 : i32
        %add3A_143 = arith.addi %multiple_of3A_136, %add3A_142 : i32
        %get3A_144 = arith.index_cast %add3A_143 : i32 to index
        %get3A_145 = arith.constant 16 : index
        %get3A_146 = tpu.vector_load %arg11[%get3A_144, %get3A_145] {strides = array<i32>} : memref<200x32xf32, #tpu.memory_space<vmem>>, vector<1x16xf32>,
        %get3A_147 = vector.shape_cast %get3A_146 : vector<1x16xf32> to vector<16xf32>
        %add3A_148 = arith.addf %scan3A_130, %get3A_141 : vector<16xf32>
        %add3A_149 = arith.addf %scan3A_131, %get3A_147 : vector<16xf32>
        %add3A_150 = arith.constant 1 : i32
        %add3A_151 = arith.addi %multiple_of3A_136, %add3A_150 : i32
        %get3A_152 = arith.index_cast %add3A_151 : i32 to index
        %get3A_153 = arith.constant 0 : index
        %get3A_154 = tpu.vector_load %arg11[%get3A_152, %get3A_153] {strides = array<i32>} : memref<200x32xf32, #tpu.memory_space<vmem>>, vector<1x16xf32>,
        %get3A_155 = vector.shape_cast %get3A_154 : vector<1x16xf32> to vector<16xf32>
        %add3A_156 = arith.constant 1 : i32
        %add3A_157 = arith.addi %multiple_of3A_136, %add3A_156 : i32
        %get3A_158 = arith.index_cast %add3A_157 : i32 to index
        %get3A_159 = arith.constant 16 : index
        %get3A_160 = tpu.vector_load %arg11[%get3A_158, %get3A_159] {strides = array<i32>} : memref<200x32xf32, #tpu.memory_space<vmem>>, vector<1x16xf32>,
        %get3A_161 = vector.shape_cast %get3A_160 : vector<1x16xf32> to vector<16xf32>
        %add3A_162 = arith.addf %scan3A_132, %get3A_155 : vector<16xf32>
        %add3A_163 = arith.addf %scan3A_133, %get3A_161 : vector<16xf32>
        %add3A_164 = arith.constant 2 : i32
        %add3A_165 = arith.addi %multiple_of3A_136, %add3A_164 : i32
        %get3A_166 = arith.index_cast %add3A_165 : i32 to index
        %get3A_167 = arith.constant 0 : index
        %get3A_168 = tpu.vector_load %arg11[%get3A_166, %get3A_167] {strides = array<i32>} : memref<200x32xf32, #tpu.memory_space<vmem>>, vector<1x16xf32>,
        %get3A_169 = vector.shape_cast %get3A_168 : vector<1x16xf32> to vector<16xf32>
        %add3A_170 = arith.constant 2 : i32
        %add3A_171 = arith.addi %multiple_of3A_136, %add3A_170 : i32
        %get3A_172 = arith.index_cast %add3A_171 : i32 to index
        %get3A_173 = arith.constant 16 : index
        %get3A_174 = tpu.vector_load %arg11[%get3A_172, %get3A_173] {strides = array<i32>} : memref<200x32xf32, #tpu.memory_space<vmem>>, vector<1x16xf32>,
        %get3A_175 = vector.shape_cast %get3A_174 : vector<1x16xf32> to vector<16xf32>
        %add3A_176 = arith.addf %add3A_148, %get3A_169 : vector<16xf32>
        %add3A_177 = arith.addf %add3A_149, %get3A_175 : vector<16xf32>
        %add3A_178 = arith.constant 3 : i32
        %add3A_179 = arith.addi %multiple_of3A_136, %add3A_178 : i32
        %get3A_180 = arith.index_cast %add3A_179 : i32 to index
        %get3A_181 = arith.constant 0 : index
        %get3A_182 = tpu.vector_load %arg11[%get3A_180, %get3A_181] {strides = array<i32>} : memref<200x32xf32, #tpu.memory_space<vmem>>, vector<1x16xf32>,
        %get3A_183 = vector.shape_cast %get3A_182 : vector<1x16xf32> to vector<16xf32>
        %add3A_184 = arith.constant 3 : i32
        %add3A_185 = arith.addi %multiple_of3A_136, %add3A_184 : i32
        %get3A_186 = arith.index_cast %add3A_185 : i32 to index
        %get3A_187 = arith.constant 16 : index
        %get3A_188 = tpu.vector_load %arg11[%get3A_186, %get3A_187] {strides = array<i32>} : memref<200x32xf32, #tpu.memory_space<vmem>>, vector<1x16xf32>,
        %get3A_189 = vector.shape_cast %get3A_188 : vector<1x16xf32> to vector<16xf32>
        %add3A_190 = arith.addf %add3A_162, %get3A_183 : vector<16xf32>
        %add3A_191 = arith.addf %add3A_163, %get3A_189 : vector<16xf32>
        %add3A_192 = arith.constant 4 : i32
        %add3A_193 = arith.addi %multiple_of3A_136, %add3A_192 : i32
        %get3A_194 = arith.index_cast %add3A_193 : i32 to index
        %get3A_195 = arith.constant 0 : index
        %get3A_196 = tpu.vector_load %arg11[%get3A_194, %get3A_195] {strides = array<i32>} : memref<200x32xf32, #tpu.memory_space<vmem>>, vector<1x16xf32>,
        %get3A_197 = vector.shape_cast %get3A_196 : vector<1x16xf32> to vector<16xf32>
        %add3A_198 = arith.constant 4 : i32
        %add3A_199 = arith.addi %multiple_of3A_136, %add3A_198 : i32
        %get3A_200 = arith.index_cast %add3A_199 : i32 to index
        %get3A_201 = arith.constant 16 : index
        %get3A_202 = tpu.vector_load %arg11[%get3A_200, %get3A_201] {strides = array<i32>} : memref<200x32xf32, #tpu.memory_space<vmem>>, vector<1x16xf32>,
        %get3A_203 = vector.shape_cast %get3A_202 : vector<1x16xf32> to vector<16xf32>
        %add3A_204 = arith.addf %add3A_176, %get3A_197 : vector<16xf32>
        %add3A_205 = arith.addf %add3A_177, %get3A_203 : vector<16xf32>
        %add3A_206 = arith.constant 5 : i32
        %add3A_207 = arith.addi %multiple_of3A_136, %add3A_206 : i32
        %get3A_208 = arith.index_cast %add3A_207 : i32 to index
        %get3A_209 = arith.constant 0 : index
        %get3A_210 = tpu.vector_load %arg11[%get3A_208, %get3A_209] {strides = array<i32>} : memref<200x32xf32, #tpu.memory_space<vmem>>, vector<1x16xf32>,
        %get3A_211 = vector.shape_cast %get3A_210 : vector<1x16xf32> to vector<16xf32>
        %add3A_212 = arith.constant 5 : i32
        %add3A_213 = arith.addi %multiple_of3A_136, %add3A_212 : i32
        %get3A_214 = arith.index_cast %add3A_213 : i32 to index
        %get3A_215 = arith.constant 16 : index
        %get3A_216 = tpu.vector_load %arg11[%get3A_214, %get3A_215] {strides = array<i32>} : memref<200x32xf32, #tpu.memory_space<vmem>>, vector<1x16xf32>,
        %get3A_217 = vector.shape_cast %get3A_216 : vector<1x16xf32> to vector<16xf32>
        %add3A_218 = arith.addf %add3A_190, %get3A_211 : vector<16xf32>
        %add3A_219 = arith.addf %add3A_191, %get3A_217 : vector<16xf32>
        %add3A_220 = arith.constant 6 : i32
        %add3A_221 = arith.addi %multiple_of3A_136, %add3A_220 : i32
        %get3A_222 = arith.index_cast %add3A_221 : i32 to index
        %get3A_223 = arith.constant 0 : index
        %get3A_224 = tpu.vector_load %arg11[%get3A_222, %get3A_223] {strides = array<i32>} : memref<200x32xf32, #tpu.memory_space<vmem>>, vector<1x16xf32>,
        %get3A_225 = vector.shape_cast %get3A_224 : vector<1x16xf32> to vector<16xf32>
        %add3A_226 = arith.constant 6 : i32
        %add3A_227 = arith.addi %multiple_of3A_136, %add3A_226 : i32
        %get3A_228 = arith.index_cast %add3A_227 : i32 to index
        %get3A_229 = arith.constant 16 : index
        %get3A_230 = tpu.vector_load %arg11[%get3A_228, %get3A_229] {strides = array<i32>} : memref<200x32xf32, #tpu.memory_space<vmem>>, vector<1x16xf32>,
        %get3A_231 = vector.shape_cast %get3A_230 : vector<1x16xf32> to vector<16xf32>
        %add3A_232 = arith.addf %add3A_204, %get3A_225 : vector<16xf32>
        %add3A_233 = arith.addf %add3A_205, %get3A_231 : vector<16xf32>
        %add3A_234 = arith.constant 7 : i32
        %add3A_235 = arith.addi %multiple_of3A_136, %add3A_234 : i32
        %get3A_236 = arith.index_cast %add3A_235 : i32 to index
        %get3A_237 = arith.constant 0 : index
        %get3A_238 = tpu.vector_load %arg11[%get3A_236, %get3A_237] {strides = array<i32>} : memref<200x32xf32, #tpu.memory_space<vmem>>, vector<1x16xf32>,
        %get3A_239 = vector.shape_cast %get3A_238 : vector<1x16xf32> to vector<16xf32>
        %add3A_240 = arith.constant 7 : i32
        %add3A_241 = arith.addi %multiple_of3A_136, %add3A_240 : i32
        %get3A_242 = arith.index_cast %add3A_241 : i32 to index
        %get3A_243 = arith.constant 16 : index
        %get3A_244 = tpu.vector_load %arg11[%get3A_242, %get3A_243] {strides = array<i32>} : memref<200x32xf32, #tpu.memory_space<vmem>>, vector<1x16xf32>,
        %get3A_245 = vector.shape_cast %get3A_244 : vector<1x16xf32> to vector<16xf32>
        %add3A_246 = arith.addf %add3A_218, %get3A_239 : vector<16xf32>
        %add3A_247 = arith.addf %add3A_219, %get3A_245 : vector<16xf32>
        scf.yield %add3A_232, %add3A_233, %add3A_246, %add3A_247 : vector<16xf32>, vector<16xf32>, vector<16xf32>, vector<16xf32>
      }
      %scan3A_74 = arith.constant 25 : i32
      %add3A_75 = arith.addf %scan3A_73#0, %scan3A_73#2 : vector<16xf32>
      %mul3A_76 = vector.broadcast %scan3A_48 : f32 to vector<16xf32>
      %mul3A_77 = arith.mulf %add3A_75, %mul3A_76 : vector<16xf32>
      %swap3A = arith.index_cast %mul3A_61 : i32 to index
      %swap3A_78 = arith.constant 0 : index
      %swap3A_79 = tpu.vector_load %arg13[%swap3A, %swap3A_78] {strides = array<i32>} : memref<128x32xf32, #tpu.memory_space<vmem>>, vector<1x16xf32>,
      %swap3A_80 = vector.shape_cast %swap3A_79 : vector<1x16xf32> to vector<16xf32>
      %swap3A_81 = vector.shape_cast %mul3A_77 : vector<16xf32> to vector<1x16xf32>
      tpu.vector_store %arg13[%swap3A, %swap3A_78], %swap3A_81 {strides = array<i32>} : memref<128x32xf32, #tpu.memory_space<vmem>>, vector<1x16xf32>,
      %add3A_82 = arith.addf %scan3A_73#1, %scan3A_73#3 : vector<16xf32>
      %mul3A_83 = vector.broadcast %scan3A_48 : f32 to vector<16xf32>
      %mul3A_84 = arith.mulf %add3A_82, %mul3A_83 : vector<16xf32>
      %swap3A_85 = arith.index_cast %mul3A_61 : i32 to index
      %swap3A_86 = arith.constant 16 : index
      %swap3A_87 = tpu.vector_load %arg13[%swap3A_85, %swap3A_86] {strides = array<i32>} : memref<128x32xf32, #tpu.memory_space<vmem>>, vector<1x16xf32>,
      %swap3A_88 = vector.shape_cast %swap3A_87 : vector<1x16xf32> to vector<16xf32>
      %swap3A_89 = vector.shape_cast %mul3A_84 : vector<16xf32> to vector<1x16xf32>
      tpu.vector_store %arg13[%swap3A_85, %swap3A_86], %swap3A_89 {strides = array<i32>} : memref<128x32xf32, #tpu.memory_space<vmem>>, vector<1x16xf32>,
      %lt3A = arith.constant 63 : i32
      %lt3A_90 = arith.cmpi slt, %scan3A_59, %lt3A : i32
      %convert_element_type3A = arith.extui %lt3A_90 : i1 to i32
      %cond3A = arith.constant 0 : i32
      %cond3A_91 = arith.cmpi ne, %convert_element_type3A, %cond3A : i32
      scf.if %cond3A_91 {
        %add3A_129 = arith.constant 2 : i32
        %add3A_130 = arith.addi %mul3A_61, %add3A_129 : i32
        %dma_start3A_131 = arith.constant 0 : i32
        %dma_start3A_132 = arith.constant 0 : i32
        %dma_start3A_133 = tpu.memref_slice %arg11[%dma_start3A_131, %dma_start3A_132] : memref<200x32xf32, #tpu.memory_space<vmem>> -> memref<96x32xf32, #tpu.memory_space<vmem>>
        %dma_start3A_134 = arith.constant 0 : i32
        %dma_start3A_135 = tpu.memref_slice %arg10[%add3A_130, %dma_start3A_134] : memref<128x200xi32, #tpu.memory_space<vmem>> -> memref<1x96xi32, #tpu.memory_space<vmem>>
        %dma_start3A_136 = tpu.memref_squeeze %dma_start3A_135 : memref<1x96xi32, #tpu.memory_space<vmem>> -> memref<96xi32, #tpu.memory_space<vmem>>
        %dma_start3A_137 = arith.constant 0 : i32
        %dma_start3A_138 = arith.constant 0 : i32
        %dma_start3A_139 = tpu.memref_slice %arg5[%dma_start3A_137, %dma_start3A_138] : memref<1000001x32xf32, #tpu.memory_space<hbm>> -> memref<1000001x32xf32, #tpu.memory_space<hbm>>
        tpu.enqueue_indirect_dma source(%dma_start3A_139 : memref<1000001x32xf32, #tpu.memory_space<hbm>>) target(%dma_start3A_133 : memref<96x32xf32, #tpu.memory_space<vmem>>) offsets(%dma_start3A_136 : memref<96xi32, #tpu.memory_space<vmem>>) semaphore(%arg18 : memref<!tpu.dma_semaphore, #tpu.memory_space<semaphore_mem>>)
        %dma_start3A_140 = arith.constant 96 : i32
        %dma_start3A_141 = arith.constant 0 : i32
        %dma_start3A_142 = tpu.memref_slice %arg11[%dma_start3A_140, %dma_start3A_141] : memref<200x32xf32, #tpu.memory_space<vmem>> -> memref<104x32xf32, #tpu.memory_space<vmem>>
        %dma_start3A_143 = arith.constant 96 : i32
        %dma_start3A_144 = tpu.memref_slice %arg10[%add3A_130, %dma_start3A_143] : memref<128x200xi32, #tpu.memory_space<vmem>> -> memref<1x104xi32, #tpu.memory_space<vmem>>
        %dma_start3A_145 = tpu.memref_squeeze %dma_start3A_144 : memref<1x104xi32, #tpu.memory_space<vmem>> -> memref<104xi32, #tpu.memory_space<vmem>>
        %dma_start3A_146 = arith.constant 0 : i32
        %dma_start3A_147 = arith.constant 0 : i32
        %dma_start3A_148 = tpu.memref_slice %arg5[%dma_start3A_146, %dma_start3A_147] : memref<1000001x32xf32, #tpu.memory_space<hbm>> -> memref<1000001x32xf32, #tpu.memory_space<hbm>>
        tpu.enqueue_indirect_dma source(%dma_start3A_148 : memref<1000001x32xf32, #tpu.memory_space<hbm>>) target(%dma_start3A_142 : memref<104x32xf32, #tpu.memory_space<vmem>>) offsets(%dma_start3A_145 : memref<104xi32, #tpu.memory_space<vmem>>) semaphore(%arg18 : memref<!tpu.dma_semaphore, #tpu.memory_space<semaphore_mem>>)
      } else {
      }
      %dma_wait3A_92 = arith.constant 0 : i32
      %dma_wait3A_93 = arith.constant 0 : i32
      %dma_wait3A_94 = tpu.memref_slice %arg5[%dma_wait3A_92, %dma_wait3A_93] : memref<1000001x32xf32, #tpu.memory_space<hbm>> -> memref<200x32xf32, #tpu.memory_space<hbm>>
      %dma_wait3A_95 = arith.constant 0 : i32
      %dma_wait3A_96 = arith.constant 0 : i32
      %dma_wait3A_97 = tpu.memref_slice %arg5[%dma_wait3A_95, %dma_wait3A_96] : memref<1000001x32xf32, #tpu.memory_space<hbm>> -> memref<200x32xf32, #tpu.memory_space<hbm>>
      tpu.wait_dma2 semaphore(%arg19 : memref<!tpu.dma_semaphore, #tpu.memory_space<semaphore_mem>>) src(%dma_wait3A_97 : memref<200x32xf32, #tpu.memory_space<hbm>>) dst(%arg12 : memref<200x32xf32, #tpu.memory_space<vmem>>)
      %add3A_98 = arith.constant 1 : i32
      %add3A_99 = arith.addi %mul3A_61, %add3A_98 : i32
      %broadcast_in_dim3A_100 = arith.constant 0.000000e+00 : f32
      %broadcast_in_dim3A_101 = vector.broadcast %broadcast_in_dim3A_100 : f32 to vector<16xf32>
      %scan3A_102 = arith.constant 0 : i32
      %scan3A_103 = arith.constant 25 : i32
      %scan3A_104 = arith.addi %scan3A_102, %scan3A_103 : i32
      %scan3A_105 = arith.constant 1 : i32
      %scan3A_106:4 = scf.for %scan3A_129 = %scan3A_102 to %scan3A_104 step %scan3A_105 iter_args(%scan3A_130 = %broadcast_in_dim3A_101, %scan3A_131 = %broadcast_in_dim3A_101, %scan3A_132 = %broadcast_in_dim3A_101, %scan3A_133 = %broadcast_in_dim3A_101) -> (vector<16xf32>, vector<16xf32>, vector<16xf32>, vector<16xf32>)  : i32 {
        %mul3A_134 = arith.constant 8 : i32
        %mul3A_135 = arith.muli %scan3A_129, %mul3A_134 : i32
        %multiple_of3A_136 = tpu.assume_multiple %mul3A_135, 8 : i32
        %add3A_137 = arith.constant 0 : i32
        %add3A_138 = arith.addi %multiple_of3A_136, %add3A_137 : i32
        %get3A = arith.index_cast %add3A_138 : i32 to index
        %get3A_139 = arith.constant 0 : index
        %get3A_140 = tpu.vector_load %arg12[%get3A, %get3A_139] {strides = array<i32>} : memref<200x32xf32, #tpu.memory_space<vmem>>, vector<1x16xf32>,
        %get3A_141 = vector.shape_cast %get3A_140 : vector<1x16xf32> to vector<16xf32>
        %add3A_142 = arith.constant 0 : i32
        %add3A_143 = arith.addi %multiple_of3A_136, %add3A_142 : i32
        %get3A_144 = arith.index_cast %add3A_143 : i32 to index
        %get3A_145 = arith.constant 16 : index
        %get3A_146 = tpu.vector_load %arg12[%get3A_144, %get3A_145] {strides = array<i32>} : memref<200x32xf32, #tpu.memory_space<vmem>>, vector<1x16xf32>,
        %get3A_147 = vector.shape_cast %get3A_146 : vector<1x16xf32> to vector<16xf32>
        %add3A_148 = arith.addf %scan3A_130, %get3A_141 : vector<16xf32>
        %add3A_149 = arith.addf %scan3A_131, %get3A_147 : vector<16xf32>
        %add3A_150 = arith.constant 1 : i32
        %add3A_151 = arith.addi %multiple_of3A_136, %add3A_150 : i32
        %get3A_152 = arith.index_cast %add3A_151 : i32 to index
        %get3A_153 = arith.constant 0 : index
        %get3A_154 = tpu.vector_load %arg12[%get3A_152, %get3A_153] {strides = array<i32>} : memref<200x32xf32, #tpu.memory_space<vmem>>, vector<1x16xf32>,
        %get3A_155 = vector.shape_cast %get3A_154 : vector<1x16xf32> to vector<16xf32>
        %add3A_156 = arith.constant 1 : i32
        %add3A_157 = arith.addi %multiple_of3A_136, %add3A_156 : i32
        %get3A_158 = arith.index_cast %add3A_157 : i32 to index
        %get3A_159 = arith.constant 16 : index
        %get3A_160 = tpu.vector_load %arg12[%get3A_158, %get3A_159] {strides = array<i32>} : memref<200x32xf32, #tpu.memory_space<vmem>>, vector<1x16xf32>,
        %get3A_161 = vector.shape_cast %get3A_160 : vector<1x16xf32> to vector<16xf32>
        %add3A_162 = arith.addf %scan3A_132, %get3A_155 : vector<16xf32>
        %add3A_163 = arith.addf %scan3A_133, %get3A_161 : vector<16xf32>
        %add3A_164 = arith.constant 2 : i32
        %add3A_165 = arith.addi %multiple_of3A_136, %add3A_164 : i32
        %get3A_166 = arith.index_cast %add3A_165 : i32 to index
        %get3A_167 = arith.constant 0 : index
        %get3A_168 = tpu.vector_load %arg12[%get3A_166, %get3A_167] {strides = array<i32>} : memref<200x32xf32, #tpu.memory_space<vmem>>, vector<1x16xf32>,
        %get3A_169 = vector.shape_cast %get3A_168 : vector<1x16xf32> to vector<16xf32>
        %add3A_170 = arith.constant 2 : i32
        %add3A_171 = arith.addi %multiple_of3A_136, %add3A_170 : i32
        %get3A_172 = arith.index_cast %add3A_171 : i32 to index
        %get3A_173 = arith.constant 16 : index
        %get3A_174 = tpu.vector_load %arg12[%get3A_172, %get3A_173] {strides = array<i32>} : memref<200x32xf32, #tpu.memory_space<vmem>>, vector<1x16xf32>,
        %get3A_175 = vector.shape_cast %get3A_174 : vector<1x16xf32> to vector<16xf32>
        %add3A_176 = arith.addf %add3A_148, %get3A_169 : vector<16xf32>
        %add3A_177 = arith.addf %add3A_149, %get3A_175 : vector<16xf32>
        %add3A_178 = arith.constant 3 : i32
        %add3A_179 = arith.addi %multiple_of3A_136, %add3A_178 : i32
        %get3A_180 = arith.index_cast %add3A_179 : i32 to index
        %get3A_181 = arith.constant 0 : index
        %get3A_182 = tpu.vector_load %arg12[%get3A_180, %get3A_181] {strides = array<i32>} : memref<200x32xf32, #tpu.memory_space<vmem>>, vector<1x16xf32>,
        %get3A_183 = vector.shape_cast %get3A_182 : vector<1x16xf32> to vector<16xf32>
        %add3A_184 = arith.constant 3 : i32
        %add3A_185 = arith.addi %multiple_of3A_136, %add3A_184 : i32
        %get3A_186 = arith.index_cast %add3A_185 : i32 to index
        %get3A_187 = arith.constant 16 : index
        %get3A_188 = tpu.vector_load %arg12[%get3A_186, %get3A_187] {strides = array<i32>} : memref<200x32xf32, #tpu.memory_space<vmem>>, vector<1x16xf32>,
        %get3A_189 = vector.shape_cast %get3A_188 : vector<1x16xf32> to vector<16xf32>
        %add3A_190 = arith.addf %add3A_162, %get3A_183 : vector<16xf32>
        %add3A_191 = arith.addf %add3A_163, %get3A_189 : vector<16xf32>
        %add3A_192 = arith.constant 4 : i32
        %add3A_193 = arith.addi %multiple_of3A_136, %add3A_192 : i32
        %get3A_194 = arith.index_cast %add3A_193 : i32 to index
        %get3A_195 = arith.constant 0 : index
        %get3A_196 = tpu.vector_load %arg12[%get3A_194, %get3A_195] {strides = array<i32>} : memref<200x32xf32, #tpu.memory_space<vmem>>, vector<1x16xf32>,
        %get3A_197 = vector.shape_cast %get3A_196 : vector<1x16xf32> to vector<16xf32>
        %add3A_198 = arith.constant 4 : i32
        %add3A_199 = arith.addi %multiple_of3A_136, %add3A_198 : i32
        %get3A_200 = arith.index_cast %add3A_199 : i32 to index
        %get3A_201 = arith.constant 16 : index
        %get3A_202 = tpu.vector_load %arg12[%get3A_200, %get3A_201] {strides = array<i32>} : memref<200x32xf32, #tpu.memory_space<vmem>>, vector<1x16xf32>,
        %get3A_203 = vector.shape_cast %get3A_202 : vector<1x16xf32> to vector<16xf32>
        %add3A_204 = arith.addf %add3A_176, %get3A_197 : vector<16xf32>
        %add3A_205 = arith.addf %add3A_177, %get3A_203 : vector<16xf32>
        %add3A_206 = arith.constant 5 : i32
        %add3A_207 = arith.addi %multiple_of3A_136, %add3A_206 : i32
        %get3A_208 = arith.index_cast %add3A_207 : i32 to index
        %get3A_209 = arith.constant 0 : index
        %get3A_210 = tpu.vector_load %arg12[%get3A_208, %get3A_209] {strides = array<i32>} : memref<200x32xf32, #tpu.memory_space<vmem>>, vector<1x16xf32>,
        %get3A_211 = vector.shape_cast %get3A_210 : vector<1x16xf32> to vector<16xf32>
        %add3A_212 = arith.constant 5 : i32
        %add3A_213 = arith.addi %multiple_of3A_136, %add3A_212 : i32
        %get3A_214 = arith.index_cast %add3A_213 : i32 to index
        %get3A_215 = arith.constant 16 : index
        %get3A_216 = tpu.vector_load %arg12[%get3A_214, %get3A_215] {strides = array<i32>} : memref<200x32xf32, #tpu.memory_space<vmem>>, vector<1x16xf32>,
        %get3A_217 = vector.shape_cast %get3A_216 : vector<1x16xf32> to vector<16xf32>
        %add3A_218 = arith.addf %add3A_190, %get3A_211 : vector<16xf32>
        %add3A_219 = arith.addf %add3A_191, %get3A_217 : vector<16xf32>
        %add3A_220 = arith.constant 6 : i32
        %add3A_221 = arith.addi %multiple_of3A_136, %add3A_220 : i32
        %get3A_222 = arith.index_cast %add3A_221 : i32 to index
        %get3A_223 = arith.constant 0 : index
        %get3A_224 = tpu.vector_load %arg12[%get3A_222, %get3A_223] {strides = array<i32>} : memref<200x32xf32, #tpu.memory_space<vmem>>, vector<1x16xf32>,
        %get3A_225 = vector.shape_cast %get3A_224 : vector<1x16xf32> to vector<16xf32>
        %add3A_226 = arith.constant 6 : i32
        %add3A_227 = arith.addi %multiple_of3A_136, %add3A_226 : i32
        %get3A_228 = arith.index_cast %add3A_227 : i32 to index
        %get3A_229 = arith.constant 16 : index
        %get3A_230 = tpu.vector_load %arg12[%get3A_228, %get3A_229] {strides = array<i32>} : memref<200x32xf32, #tpu.memory_space<vmem>>, vector<1x16xf32>,
        %get3A_231 = vector.shape_cast %get3A_230 : vector<1x16xf32> to vector<16xf32>
        %add3A_232 = arith.addf %add3A_204, %get3A_225 : vector<16xf32>
        %add3A_233 = arith.addf %add3A_205, %get3A_231 : vector<16xf32>
        %add3A_234 = arith.constant 7 : i32
        %add3A_235 = arith.addi %multiple_of3A_136, %add3A_234 : i32
        %get3A_236 = arith.index_cast %add3A_235 : i32 to index
        %get3A_237 = arith.constant 0 : index
        %get3A_238 = tpu.vector_load %arg12[%get3A_236, %get3A_237] {strides = array<i32>} : memref<200x32xf32, #tpu.memory_space<vmem>>, vector<1x16xf32>,
        %get3A_239 = vector.shape_cast %get3A_238 : vector<1x16xf32> to vector<16xf32>
        %add3A_240 = arith.constant 7 : i32
        %add3A_241 = arith.addi %multiple_of3A_136, %add3A_240 : i32
        %get3A_242 = arith.index_cast %add3A_241 : i32 to index
        %get3A_243 = arith.constant 16 : index
        %get3A_244 = tpu.vector_load %arg12[%get3A_242, %get3A_243] {strides = array<i32>} : memref<200x32xf32, #tpu.memory_space<vmem>>, vector<1x16xf32>,
        %get3A_245 = vector.shape_cast %get3A_244 : vector<1x16xf32> to vector<16xf32>
        %add3A_246 = arith.addf %add3A_218, %get3A_239 : vector<16xf32>
        %add3A_247 = arith.addf %add3A_219, %get3A_245 : vector<16xf32>
        scf.yield %add3A_232, %add3A_233, %add3A_246, %add3A_247 : vector<16xf32>, vector<16xf32>, vector<16xf32>, vector<16xf32>
      }
      %scan3A_107 = arith.constant 25 : i32
      %add3A_108 = arith.addf %scan3A_106#0, %scan3A_106#2 : vector<16xf32>
      %mul3A_109 = vector.broadcast %scan3A_48 : f32 to vector<16xf32>
      %mul3A_110 = arith.mulf %add3A_108, %mul3A_109 : vector<16xf32>
      %swap3A_111 = arith.index_cast %add3A_99 : i32 to index
      %swap3A_112 = arith.constant 0 : index
      %swap3A_113 = tpu.vector_load %arg13[%swap3A_111, %swap3A_112] {strides = array<i32>} : memref<128x32xf32, #tpu.memory_space<vmem>>, vector<1x16xf32>,
      %swap3A_114 = vector.shape_cast %swap3A_113 : vector<1x16xf32> to vector<16xf32>
      %swap3A_115 = vector.shape_cast %mul3A_110 : vector<16xf32> to vector<1x16xf32>
      tpu.vector_store %arg13[%swap3A_111, %swap3A_112], %swap3A_115 {strides = array<i32>} : memref<128x32xf32, #tpu.memory_space<vmem>>, vector<1x16xf32>,
      %add3A_116 = arith.addf %scan3A_106#1, %scan3A_106#3 : vector<16xf32>
      %mul3A_117 = vector.broadcast %scan3A_48 : f32 to vector<16xf32>
      %mul3A_118 = arith.mulf %add3A_116, %mul3A_117 : vector<16xf32>
      %swap3A_119 = arith.index_cast %add3A_99 : i32 to index
      %swap3A_120 = arith.constant 16 : index
      %swap3A_121 = tpu.vector_load %arg13[%swap3A_119, %swap3A_120] {strides = array<i32>} : memref<128x32xf32, #tpu.memory_space<vmem>>, vector<1x16xf32>,
      %swap3A_122 = vector.shape_cast %swap3A_121 : vector<1x16xf32> to vector<16xf32>
      %swap3A_123 = vector.shape_cast %mul3A_118 : vector<16xf32> to vector<1x16xf32>
      tpu.vector_store %arg13[%swap3A_119, %swap3A_120], %swap3A_123 {strides = array<i32>} : memref<128x32xf32, #tpu.memory_space<vmem>>, vector<1x16xf32>,
      %lt3A_124 = arith.constant 63 : i32
      %lt3A_125 = arith.cmpi slt, %scan3A_59, %lt3A_124 : i32
      %convert_element_type3A_126 = arith.extui %lt3A_125 : i1 to i32
      %cond3A_127 = arith.constant 0 : i32
      %cond3A_128 = arith.cmpi ne, %convert_element_type3A_126, %cond3A_127 : i32
      scf.if %cond3A_128 {
        %add3A_129 = arith.constant 3 : i32
        %add3A_130 = arith.addi %mul3A_61, %add3A_129 : i32
        %dma_start3A_131 = arith.constant 0 : i32
        %dma_start3A_132 = arith.constant 0 : i32
        %dma_start3A_133 = tpu.memref_slice %arg12[%dma_start3A_131, %dma_start3A_132] : memref<200x32xf32, #tpu.memory_space<vmem>> -> memref<96x32xf32, #tpu.memory_space<vmem>>
        %dma_start3A_134 = arith.constant 0 : i32
        %dma_start3A_135 = tpu.memref_slice %arg10[%add3A_130, %dma_start3A_134] : memref<128x200xi32, #tpu.memory_space<vmem>> -> memref<1x96xi32, #tpu.memory_space<vmem>>
        %dma_start3A_136 = tpu.memref_squeeze %dma_start3A_135 : memref<1x96xi32, #tpu.memory_space<vmem>> -> memref<96xi32, #tpu.memory_space<vmem>>
        %dma_start3A_137 = arith.constant 0 : i32
        %dma_start3A_138 = arith.constant 0 : i32
        %dma_start3A_139 = tpu.memref_slice %arg5[%dma_start3A_137, %dma_start3A_138] : memref<1000001x32xf32, #tpu.memory_space<hbm>> -> memref<1000001x32xf32, #tpu.memory_space<hbm>>
        tpu.enqueue_indirect_dma source(%dma_start3A_139 : memref<1000001x32xf32, #tpu.memory_space<hbm>>) target(%dma_start3A_133 : memref<96x32xf32, #tpu.memory_space<vmem>>) offsets(%dma_start3A_136 : memref<96xi32, #tpu.memory_space<vmem>>) semaphore(%arg19 : memref<!tpu.dma_semaphore, #tpu.memory_space<semaphore_mem>>)
        %dma_start3A_140 = arith.constant 96 : i32
        %dma_start3A_141 = arith.constant 0 : i32
        %dma_start3A_142 = tpu.memref_slice %arg12[%dma_start3A_140, %dma_start3A_141] : memref<200x32xf32, #tpu.memory_space<vmem>> -> memref<104x32xf32, #tpu.memory_space<vmem>>
        %dma_start3A_143 = arith.constant 96 : i32
        %dma_start3A_144 = tpu.memref_slice %arg10[%add3A_130, %dma_start3A_143] : memref<128x200xi32, #tpu.memory_space<vmem>> -> memref<1x104xi32, #tpu.memory_space<vmem>>
        %dma_start3A_145 = tpu.memref_squeeze %dma_start3A_144 : memref<1x104xi32, #tpu.memory_space<vmem>> -> memref<104xi32, #tpu.memory_space<vmem>>
        %dma_start3A_146 = arith.constant 0 : i32
        %dma_start3A_147 = arith.constant 0 : i32
        %dma_start3A_148 = tpu.memref_slice %arg5[%dma_start3A_146, %dma_start3A_147] : memref<1000001x32xf32, #tpu.memory_space<hbm>> -> memref<1000001x32xf32, #tpu.memory_space<hbm>>
        tpu.enqueue_indirect_dma source(%dma_start3A_148 : memref<1000001x32xf32, #tpu.memory_space<hbm>>) target(%dma_start3A_142 : memref<104x32xf32, #tpu.memory_space<vmem>>) offsets(%dma_start3A_145 : memref<104xi32, #tpu.memory_space<vmem>>) semaphore(%arg19 : memref<!tpu.dma_semaphore, #tpu.memory_space<semaphore_mem>>)
      } else {
      }
    }
    %scan3A_53 = arith.constant 64 : i32
    %dma_wait3A = arith.constant 0 : i32
    %dma_wait3A_54 = arith.constant 0 : i32
    %dma_wait3A_55 = tpu.memref_slice %arg5[%dma_wait3A, %dma_wait3A_54] : memref<1000001x32xf32, #tpu.memory_space<hbm>> -> memref<1000001x32xf32, #tpu.memory_space<hbm>>
    tpu.wait_indirect_dma semaphore(%arg20 : memref<!tpu.dma_semaphore, #tpu.memory_space<semaphore_mem>>) src(%dma_wait3A_55 : memref<1000001x32xf32, #tpu.memory_space<hbm>>) dst(%arg15 : memref<128x32xf32, #tpu.memory_space<vmem>>)
    %dma_wait3A_56 = arith.constant 0 : i32
    %dma_wait3A_57 = arith.constant 0 : i32
    %dma_wait3A_58 = tpu.memref_slice %arg6[%dma_wait3A_56, %dma_wait3A_57] : memref<1000000x32xf32, #tpu.memory_space<hbm>> -> memref<1000000x32xf32, #tpu.memory_space<hbm>>
    tpu.wait_indirect_dma semaphore(%arg21 : memref<!tpu.dma_semaphore, #tpu.memory_space<semaphore_mem>>) src(%dma_wait3A_58 : memref<1000000x32xf32, #tpu.memory_space<hbm>>) dst(%arg17 : memref<128x32xf32, #tpu.memory_space<vmem>>)
    "tpu.region"() ({
      %run_scoped3A = tpu.sem_alloc : memref<!tpu.dma_semaphore, #tpu.memory_space<semaphore_mem>>
      %dma_start3A_59 = arith.constant 0 : i32
      %dma_start3A_60 = tpu.memref_slice %arg7[%multiple_of3A, %dma_start3A_59] : memref<4096x32xf32, #tpu.memory_space<hbm>> -> memref<128x32xf32, #tpu.memory_space<hbm>>
      %dma_start3A_61 = arith.constant 0 : i32
      %dma_start3A_62 = tpu.memref_slice %arg7[%multiple_of3A, %dma_start3A_61] : memref<4096x32xf32, #tpu.memory_space<hbm>> -> memref<128x32xf32, #tpu.memory_space<hbm>>
      tpu.enqueue_dma source(%arg13 : memref<128x32xf32, #tpu.memory_space<vmem>>) target(%dma_start3A_62 : memref<128x32xf32, #tpu.memory_space<hbm>>) target_semaphore(%run_scoped3A : memref<!tpu.dma_semaphore, #tpu.memory_space<semaphore_mem>>)
      %dma_wait3A_63 = arith.constant 0 : i32
      %dma_wait3A_64 = tpu.memref_slice %arg7[%multiple_of3A, %dma_wait3A_63] : memref<4096x32xf32, #tpu.memory_space<hbm>> -> memref<128x32xf32, #tpu.memory_space<hbm>>
      %dma_wait3A_65 = arith.constant 0 : i32
      %dma_wait3A_66 = tpu.memref_slice %arg7[%multiple_of3A, %dma_wait3A_65] : memref<4096x32xf32, #tpu.memory_space<hbm>> -> memref<128x32xf32, #tpu.memory_space<hbm>>
      tpu.wait_dma2 semaphore(%run_scoped3A : memref<!tpu.dma_semaphore, #tpu.memory_space<semaphore_mem>>) src(%arg13 : memref<128x32xf32, #tpu.memory_space<vmem>>) dst(%dma_wait3A_66 : memref<128x32xf32, #tpu.memory_space<hbm>>)
      tpu.yield
    }) : () -> ()
    "tpu.region"() ({
      %run_scoped3A = tpu.sem_alloc : memref<!tpu.dma_semaphore, #tpu.memory_space<semaphore_mem>>
      %dma_start3A_59 = arith.constant 0 : i32
      %dma_start3A_60 = tpu.memref_slice %arg8[%multiple_of3A, %dma_start3A_59] : memref<4096x32xf32, #tpu.memory_space<hbm>> -> memref<128x32xf32, #tpu.memory_space<hbm>>
      %dma_start3A_61 = arith.constant 0 : i32
      %dma_start3A_62 = tpu.memref_slice %arg8[%multiple_of3A, %dma_start3A_61] : memref<4096x32xf32, #tpu.memory_space<hbm>> -> memref<128x32xf32, #tpu.memory_space<hbm>>
      tpu.enqueue_dma source(%arg15 : memref<128x32xf32, #tpu.memory_space<vmem>>) target(%dma_start3A_62 : memref<128x32xf32, #tpu.memory_space<hbm>>) target_semaphore(%run_scoped3A : memref<!tpu.dma_semaphore, #tpu.memory_space<semaphore_mem>>)
      %dma_wait3A_63 = arith.constant 0 : i32
      %dma_wait3A_64 = tpu.memref_slice %arg8[%multiple_of3A, %dma_wait3A_63] : memref<4096x32xf32, #tpu.memory_space<hbm>> -> memref<128x32xf32, #tpu.memory_space<hbm>>
      %dma_wait3A_65 = arith.constant 0 : i32
      %dma_wait3A_66 = tpu.memref_slice %arg8[%multiple_of3A, %dma_wait3A_65] : memref<4096x32xf32, #tpu.memory_space<hbm>> -> memref<128x32xf32, #tpu.memory_space<hbm>>
      tpu.wait_dma2 semaphore(%run_scoped3A : memref<!tpu.dma_semaphore, #tpu.memory_space<semaphore_mem>>) src(%arg15 : memref<128x32xf32, #tpu.memory_space<vmem>>) dst(%dma_wait3A_66 : memref<128x32xf32, #tpu.memory_space<hbm>>)
      tpu.yield
    }) : () -> ()
    "tpu.region"() ({
      %run_scoped3A = tpu.sem_alloc : memref<!tpu.dma_semaphore, #tpu.memory_space<semaphore_mem>>
      %dma_start3A_59 = arith.constant 0 : i32
      %dma_start3A_60 = tpu.memref_slice %arg9[%multiple_of3A, %dma_start3A_59] : memref<4096x32xf32, #tpu.memory_space<hbm>> -> memref<128x32xf32, #tpu.memory_space<hbm>>
      %dma_start3A_61 = arith.constant 0 : i32
      %dma_start3A_62 = tpu.memref_slice %arg9[%multiple_of3A, %dma_start3A_61] : memref<4096x32xf32, #tpu.memory_space<hbm>> -> memref<128x32xf32, #tpu.memory_space<hbm>>
      tpu.enqueue_dma source(%arg17 : memref<128x32xf32, #tpu.memory_space<vmem>>) target(%dma_start3A_62 : memref<128x32xf32, #tpu.memory_space<hbm>>) target_semaphore(%run_scoped3A : memref<!tpu.dma_semaphore, #tpu.memory_space<semaphore_mem>>)
      %dma_wait3A_63 = arith.constant 0 : i32
      %dma_wait3A_64 = tpu.memref_slice %arg9[%multiple_of3A, %dma_wait3A_63] : memref<4096x32xf32, #tpu.memory_space<hbm>> -> memref<128x32xf32, #tpu.memory_space<hbm>>
      %dma_wait3A_65 = arith.constant 0 : i32
      %dma_wait3A_66 = tpu.memref_slice %arg9[%multiple_of3A, %dma_wait3A_65] : memref<4096x32xf32, #tpu.memory_space<hbm>> -> memref<128x32xf32, #tpu.memory_space<hbm>>
      tpu.wait_dma2 semaphore(%run_scoped3A : memref<!tpu.dma_semaphore, #tpu.memory_space<semaphore_mem>>) src(%arg17 : memref<128x32xf32, #tpu.memory_space<vmem>>) dst(%dma_wait3A_66 : memref<128x32xf32, #tpu.memory_space<hbm>>)
      tpu.yield
    }) : () -> ()
    return
  }
}

module attributes {stable_mosaic.version = 14 : i64} {
  func.func @body(%arg0: memref<4096x32xf32, #tpu.memory_space<vmem>>, %arg1: memref<4096x32xf32, #tpu.memory_space<vmem>>, %arg2: memref<4096x32xf32, #tpu.memory_space<vmem>>, %arg3: memref<32x96xf32, #tpu.memory_space<vmem>>, %arg4: memref<32xf32, #tpu.memory_space<vmem>>, %arg5: memref<32xf32, #tpu.memory_space<vmem>>, %arg6: memref<32xf32, #tpu.memory_space<vmem>>, %arg7: memref<1x32xf32, #tpu.memory_space<vmem>>, %arg8: memref<1xf32, #tpu.memory_space<vmem>>, %arg9: memref<4096x1xf32, #tpu.memory_space<vmem>>) attributes {dimension_semantics = [], scalar_prefetch = 0 : i64, scratch_operands = 0 : i64, tpu.core_type = #tpu.core_type<tc>} {
    %get3A = arith.constant 0 : index
    %get3A_0 = arith.constant 0 : index
    %get3A_1 = vector.load %arg3[%get3A, %get3A_0] : memref<32x96xf32, #tpu.memory_space<vmem>>, vector<32x96xf32>
    %get3A_2 = arith.constant 0 : index
    %get3A_3 = arith.constant 0 : index
    %get3A_4 = vector.load %arg0[%get3A_2, %get3A_3] : memref<4096x32xf32, #tpu.memory_space<vmem>>, vector<4096x32xf32>
    %slice3A = vector.extract_strided_slice %get3A_1 {offsets = [0, 0], sizes = [32, 32], strides = [1, 1]} : vector<32x96xf32> to vector<32x32xf32>
    %dot_general3A = arith.constant dense<0.000000e+00> : vector<4096x32xf32>
    %dot_general3A_5 = tpu.matmul %get3A_4, %slice3A, %dot_general3A {dimension_numbers = #tpu.dot_dimension_numbers<[1], [1], [0], [0], [0, 0, 1, 0], [], []>, precision = #tpu.contract_precision<fp32>, transpose_lhs_hint = false} : vector<4096x32xf32>, vector<32x32xf32>, vector<4096x32xf32> -> vector<4096x32xf32>
    %get3A_6 = arith.constant 0 : index
    %get3A_7 = arith.constant 0 : index
    %get3A_8 = vector.load %arg1[%get3A_6, %get3A_7] : memref<4096x32xf32, #tpu.memory_space<vmem>>, vector<4096x32xf32>
    %slice3A_9 = vector.extract_strided_slice %get3A_1 {offsets = [0, 32], sizes = [32, 32], strides = [1, 1]} : vector<32x96xf32> to vector<32x32xf32>
    %dot_general3A_10 = arith.constant dense<0.000000e+00> : vector<4096x32xf32>
    %dot_general3A_11 = tpu.matmul %get3A_8, %slice3A_9, %dot_general3A_10 {dimension_numbers = #tpu.dot_dimension_numbers<[1], [1], [0], [0], [0, 0, 1, 0], [], []>, precision = #tpu.contract_precision<fp32>, transpose_lhs_hint = false} : vector<4096x32xf32>, vector<32x32xf32>, vector<4096x32xf32> -> vector<4096x32xf32>
    %add3A = arith.addf %dot_general3A_5, %dot_general3A_11 : vector<4096x32xf32>
    %get3A_12 = arith.constant 0 : index
    %get3A_13 = arith.constant 0 : index
    %get3A_14 = vector.load %arg2[%get3A_12, %get3A_13] : memref<4096x32xf32, #tpu.memory_space<vmem>>, vector<4096x32xf32>
    %slice3A_15 = vector.extract_strided_slice %get3A_1 {offsets = [0, 64], sizes = [32, 32], strides = [1, 1]} : vector<32x96xf32> to vector<32x32xf32>
    %dot_general3A_16 = arith.constant dense<0.000000e+00> : vector<4096x32xf32>
    %dot_general3A_17 = tpu.matmul %get3A_14, %slice3A_15, %dot_general3A_16 {dimension_numbers = #tpu.dot_dimension_numbers<[1], [1], [0], [0], [0, 0, 1, 0], [], []>, precision = #tpu.contract_precision<fp32>, transpose_lhs_hint = false} : vector<4096x32xf32>, vector<32x32xf32>, vector<4096x32xf32> -> vector<4096x32xf32>
    %add3A_18 = arith.addf %add3A, %dot_general3A_17 : vector<4096x32xf32>
    %get3A_19 = arith.constant 0 : index
    %get3A_20 = vector.load %arg4[%get3A_19] : memref<32xf32, #tpu.memory_space<vmem>>, vector<32xf32>
    %broadcast_in_dim3A = vector.shape_cast %get3A_20 : vector<32xf32> to vector<1x32xf32>
    %add3A_21 = vector.broadcast %broadcast_in_dim3A : vector<1x32xf32> to vector<4096x32xf32>
    %add3A_22 = arith.addf %add3A_18, %add3A_21 : vector<4096x32xf32>
    %reduce_sum3A = arith.constant dense<0.000000e+00> : vector<32xf32>
    %reduce_sum3A_23 = vector.multi_reduction <add>, %add3A_22, %reduce_sum3A [0] : vector<4096x32xf32> to vector<32xf32>
    %broadcast_in_dim3A_24 = vector.shape_cast %reduce_sum3A_23 : vector<32xf32> to vector<1x32xf32>
    %div3A = arith.constant 4.096000e+03 : f32
    %div3A_25 = vector.broadcast %div3A : f32 to vector<1x32xf32>
    %div3A_26 = arith.divf %broadcast_in_dim3A_24, %div3A_25 : vector<1x32xf32>
    %sub3A = vector.broadcast %div3A_26 : vector<1x32xf32> to vector<4096x32xf32>
    %sub3A_27 = arith.subf %add3A_22, %sub3A : vector<4096x32xf32>
    %mul3A = arith.mulf %sub3A_27, %sub3A_27 : vector<4096x32xf32>
    %reduce_sum3A_28 = arith.constant dense<0.000000e+00> : vector<32xf32>
    %reduce_sum3A_29 = vector.multi_reduction <add>, %mul3A, %reduce_sum3A_28 [0] : vector<4096x32xf32> to vector<32xf32>
    %broadcast_in_dim3A_30 = vector.shape_cast %reduce_sum3A_29 : vector<32xf32> to vector<1x32xf32>
    %div3A_31 = arith.constant 4.096000e+03 : f32
    %div3A_32 = vector.broadcast %div3A_31 : f32 to vector<1x32xf32>
    %div3A_33 = arith.divf %broadcast_in_dim3A_30, %div3A_32 : vector<1x32xf32>
    %add3A_34 = arith.constant 9.99999974E-6 : f32
    %add3A_35 = vector.broadcast %add3A_34 : f32 to vector<1x32xf32>
    %add3A_36 = arith.addf %div3A_33, %add3A_35 : vector<1x32xf32>
    %rsqrt3A = math.rsqrt %add3A_36 : vector<1x32xf32>
    %mul3A_37 = vector.broadcast %rsqrt3A : vector<1x32xf32> to vector<4096x32xf32>
    %mul3A_38 = arith.mulf %sub3A_27, %mul3A_37 : vector<4096x32xf32>
    %get3A_39 = arith.constant 0 : index
    %get3A_40 = vector.load %arg5[%get3A_39] : memref<32xf32, #tpu.memory_space<vmem>>, vector<32xf32>
    %broadcast_in_dim3A_41 = vector.shape_cast %get3A_40 : vector<32xf32> to vector<1x32xf32>
    %mul3A_42 = vector.broadcast %broadcast_in_dim3A_41 : vector<1x32xf32> to vector<4096x32xf32>
    %mul3A_43 = arith.mulf %mul3A_38, %mul3A_42 : vector<4096x32xf32>
    %get3A_44 = arith.constant 0 : index
    %get3A_45 = vector.load %arg6[%get3A_44] : memref<32xf32, #tpu.memory_space<vmem>>, vector<32xf32>
    %broadcast_in_dim3A_46 = vector.shape_cast %get3A_45 : vector<32xf32> to vector<1x32xf32>
    %add3A_47 = vector.broadcast %broadcast_in_dim3A_46 : vector<1x32xf32> to vector<4096x32xf32>
    %add3A_48 = arith.addf %mul3A_43, %add3A_47 : vector<4096x32xf32>
    %max3A = arith.constant 0.000000e+00 : f32
    %max3A_49 = vector.broadcast %max3A : f32 to vector<4096x32xf32>
    %max3A_50 = arith.maximumf %add3A_48, %max3A_49 : vector<4096x32xf32>
    %get3A_51 = arith.constant 0 : index
    %get3A_52 = arith.constant 0 : index
    %get3A_53 = vector.load %arg7[%get3A_51, %get3A_52] : memref<1x32xf32, #tpu.memory_space<vmem>>, vector<1x32xf32>
    %mul3A_54 = vector.broadcast %get3A_53 : vector<1x32xf32> to vector<4096x32xf32>
    %mul3A_55 = arith.mulf %max3A_50, %mul3A_54 : vector<4096x32xf32>
    %reduce_sum3A_56 = arith.constant dense<0.000000e+00> : vector<4096xf32>
    %reduce_sum3A_57 = vector.multi_reduction <add>, %mul3A_55, %reduce_sum3A_56 [1] : vector<4096x32xf32> to vector<4096xf32>
    %broadcast_in_dim3A_58 = vector.shape_cast %reduce_sum3A_57 : vector<4096xf32> to vector<4096x1xf32>
    %get3A_59 = arith.constant 0 : index
    %get3A_60 = vector.load %arg8[%get3A_59] : memref<1xf32, #tpu.memory_space<vmem>>, vector<1xf32>
    %broadcast_in_dim3A_61 = vector.shape_cast %get3A_60 : vector<1xf32> to vector<1x1xf32>
    %add3A_62 = vector.broadcast %broadcast_in_dim3A_61 : vector<1x1xf32> to vector<4096x1xf32>
    %add3A_63 = arith.addf %broadcast_in_dim3A_58, %add3A_62 : vector<4096x1xf32>
    %neg3A = arith.constant 0.000000e+00 : f32
    %neg3A_64 = vector.broadcast %neg3A : f32 to vector<4096x1xf32>
    %neg3A_65 = arith.subf %neg3A_64, %add3A_63 : vector<4096x1xf32>
    %exp3A = math.exp %neg3A_65 : vector<4096x1xf32>
    %add3A_66 = arith.constant 1.000000e+00 : f32
    %add3A_67 = vector.broadcast %add3A_66 : f32 to vector<4096x1xf32>
    %add3A_68 = arith.addf %add3A_67, %exp3A : vector<4096x1xf32>
    %div3A_69 = arith.constant 1.000000e+00 : f32
    %div3A_70 = vector.broadcast %div3A_69 : f32 to vector<4096x1xf32>
    %div3A_71 = arith.divf %div3A_70, %add3A_68 : vector<4096x1xf32>
    %swap3A = arith.constant 0 : index
    %swap3A_72 = arith.constant 0 : index
    %swap3A_73 = vector.load %arg9[%swap3A, %swap3A_72] : memref<4096x1xf32, #tpu.memory_space<vmem>>, vector<4096x1xf32>
    tpu.vector_store %arg9[%swap3A, %swap3A_72], %div3A_71 {strides = array<i32>} : memref<4096x1xf32, #tpu.memory_space<vmem>>, vector<4096x1xf32>,
    return
  }
}

</mosaic_0001>

<sc_bundles>
// kernel: kernel.4.cloned.1.call-start
scs
__scs_entry_jumppad:
0x0: {  	(pc) =	sbr.rel $0x88, $3  }
0x1: {  	(tag) =	ssettag $0x0;
	lr =	simm.s32 $0x1  }
0x2: {  	[smem:$0x3F96] =	sst lr;
	_ =	strace $0xD0000000  }
0x3: {  	_ = 	snop  }
0x4: {  	_ = 	snop  }
0x5: {  	_ = 	snop  }
0x6: {  	_ = 	snop  }
0x7: {  	_ = 	snop  }
__scs_overlays_trampoline_lowered:
0x8: {  	[smem:$0x3FA5] =	sst s0  }
0x9: {  	[smem:$0x3FA6] =	sst s1  }
0xa: {  	[smem:$0x3FA7] =	sst s2  }
0xb: {  	[smem:$0x3FA8] =	sst s3  }
0xc: {  	[smem:$0x3FA9] =	sst s4  }
0xd: {  	[smem:$0x3FAA] =	sst s5  }
0xe: {  	[smem:$0x3FAB] =	sst s6  }
0xf: {  	[smem:$0x3FAC] =	sst s7  }
0x10: {  	[smem:$0x3FAD] =	sst s8  }
0x11: {  	[smem:$0x3FAE] =	sst s9;
	s0 =	simm.s32 @!p0 $0x0  }
0x12: {  	s1 =	sld [smem:$0x3F94];
	s0 =	simm.s32 @p0 $0x1  }
0x13: {  	[smem:$0x3FAF] =	sst s0;
	s0 =	simm.s32 @!p1 $0x0  }
0x14: {  	s2 =	sld [smem:$0x3F93];
	s0 =	simm.s32 @p1 $0x1  }
0x15: {  	[smem:$0x3FB0] =	sst s0;
	s0 =	simm.s32 @!p2 $0x0  }
0x16: {  	s3 =	sld [smem:$0x3FDB];
	s0 =	simm.s32 @p2 $0x1  }
0x17: {  	s4 =	simm.s32 $0x1BF5;
	[smem:$0x3FB2] =	sst s0  }
0x18: {  	s0 =	sld [smem:$0x3F95];
	_ =	swait.ge [sflag:s4], $0x0  }
0x19: {  	s7 =	sld [smem:$0x3F96]  }
0x1a: {  	s8 =	sadd.s32 $0xFFFFE003, lr  }
0x1b: {  	s9 =	sadd.s32 $0xFFFFFEF7, lr;
	s5 =	simm.s32 $0xFFFFFFFF;
	p2 =	slt.u32 s8, $0xFFFFF086  }
0x1c: {  	p1 =	slt.u32 s9, $0xF7A;
	s5 =	simm.s32 @!p2 $0x0  }
0x1d: {  	s5 =	simm.s32 @p1 $0x1;
	p0 =	seq.s32 s7, s2  }
0x1e: {  	s7 =	smul.u32 @!p0 $0xF7A, s2;
	p2 =	seq.s32 @!p0 s5, $0x0  }
0x1f: {  	s9 =	smul.u32 $0xF7A, s1;
	s8 =	simm.s32 @!p0 $0x1BF5;
	p2 =	por !p2, p0  }
0x20: {  	[sflag:s8] =	ssyncset.s32 @!p0 $0xFFFFF086;
	s6 =	sadd.s32 @!p0 s3, s7;
	s7 =	simm.s32 @!p0 $0x108  }
0x21: {  	s3 =	sadd.s32 s3, s9;
	s6 =	sadd.s32 @!p0 $0x88, s6;
	s7 =	simm.s32 @p2 $0x1082  }
0x22: {  	[simem:s7], [sflag:s8] =	dma.local @!p0 [hbm:s6], $0xF7A  }
0x23: {  	s9 =	sor.u32 $0xD0000000, s2;
	s6 =	simm.s32 $0x108;
	_ =	swait.ge @!p0 [sflag:s8], $0x0  }
0x24: {  	s3 =	sadd.s32 $0x88, s3;
	s6 =	simm.s32 @!p1 $0x1082;
	[sflag:s4] =	ssyncset.s32 $0xFFFFF086  }
0x25: {  	[simem:s6], [sflag:s4] =	dma.local [hbm:s3], $0xF7A  }
0x26: {  	[smem:$0x3F96] =	sst s1;
	(tag) =	ssettag s2;
	_ =	strace s9  }
0x27: {  	s1 =	sld [smem:$0x3FA6]  }
0x28: {  	s2 =	sld [smem:$0x3FA7]  }
0x29: {  	s4 =	sld [smem:$0x3FA9]  }
0x2a: {  	p0 =	seq.s32 s5, $0x0;
	s5 =	sld [smem:$0x3FAA]  }
0x2b: {  	s6 =	sld [smem:$0x3FAB]  }
0x2c: {  	s7 =	sld [smem:$0x3FAC]  }
0x2d: {  	s3 =	simm.s32 $0x108;
	s8 =	sld [smem:$0x3FAD]  }
0x2e: {  	s3 =	simm.s32 @!p0 $0x1082;
	s9 =	sld [smem:$0x3FAE]  }
0x2f: {  	lr =	sadd.s32 s0, s3;
	s0 =	sld [smem:$0x3FA5]  }
0x30: {  	s3 =	sld [smem:$0x3FA8]  }
0x31: {  	[smem:$0x3FB1] =	sst s10  }
0x32: {  	s10 =	sld [smem:$0x3FAF];
	_ =	sdelay $0x3  }
0x33: {  	p0 =	seq.s32 s10, $0x1;
	s10 =	sld [smem:$0x3FB1];
	_ =	sdelay $0x3  }
0x34: {  	[smem:$0x3FB1] =	sst s10  }
0x35: {  	s10 =	sld [smem:$0x3FB0];
	_ =	sdelay $0x3  }
0x36: {  	p1 =	seq.s32 s10, $0x1;
	s10 =	sld [smem:$0x3FB1];
	_ =	sdelay $0x3  }
0x37: {  	[smem:$0x3FB1] =	sst s10  }
0x38: {  	s10 =	sld [smem:$0x3FB2]  }
0x39: {  	_ = 	snop;
	(pc) =	sbr.ind lr, $3  }
0x3a: {  	_ = 	snop  }
0x3b: {  	_ = 	snop  }
0x3c: {  	p2 =	seq.s32 s10, $0x1;
	s10 =	sld [smem:$0x3FB1]  }
0x3d: {  	_ =	shalt  }
0x3e: {  	_ =	shalt  }
0x3f: {  	_ =	shalt  }
0x40: {  	_ =	shalt  }
0x41: {  	_ =	shalt  }
0x42: {  	_ =	shalt  }
0x43: {  	_ =	shalt  }
0x44: {  	_ =	shalt  }
0x45: {  	_ =	shalt  }
0x46: {  	_ =	shalt  }
0x47: {  	_ =	shalt  }
0x48: {  	_ =	shalt  }
0x49: {  	_ =	shalt  }
0x4a: {  	_ =	shalt  }
0x4b: {  	_ =	shalt  }
0x4c: {  	_ =	shalt  }
0x4d: {  	_ =	shalt  }
0x4e: {  	_ =	shalt  }
0x4f: {  	_ =	shalt  }
0x50: {  	_ =	shalt  }
0x51: {  	_ =	shalt  }
0x52: {  	_ =	shalt  }
0x53: {  	_ =	shalt  }
0x54: {  	_ =	shalt  }
0x55: {  	_ =	shalt  }
0x56: {  	_ =	shalt  }
0x57: {  	_ =	shalt  }
0x58: {  	_ =	shalt  }
0x59: {  	_ =	shalt  }
0x5a: {  	_ =	shalt  }
0x5b: {  	_ =	shalt  }
0x5c: {  	_ =	shalt  }
0x5d: {  	_ =	shalt  }
0x5e: {  	_ =	shalt  }
0x5f: {  	_ =	shalt  }
0x60: {  	_ =	shalt  }
0x61: {  	_ =	shalt  }
0x62: {  	_ =	shalt  }
0x63: {  	_ =	shalt  }
0x64: {  	_ =	shalt  }
0x65: {  	_ =	shalt  }
0x66: {  	_ =	shalt  }
0x67: {  	_ =	shalt  }
0x68: {  	_ =	shalt  }
0x69: {  	_ =	shalt  }
0x6a: {  	_ =	shalt  }
0x6b: {  	_ =	shalt  }
0x6c: {  	_ =	shalt  }
0x6d: {  	_ =	shalt  }
0x6e: {  	_ =	shalt  }
0x6f: {  	_ =	shalt  }
0x70: {  	_ =	shalt  }
0x71: {  	_ =	shalt  }
0x72: {  	_ =	shalt  }
0x73: {  	_ =	shalt  }
0x74: {  	_ =	shalt  }
0x75: {  	_ =	shalt  }
0x76: {  	_ =	shalt  }
0x77: {  	_ =	shalt  }
0x78: {  	_ =	shalt  }
0x79: {  	_ =	shalt  }
0x7a: {  	_ =	shalt  }
0x7b: {  	_ =	shalt  }
0x7c: {  	_ =	shalt  }
0x7d: {  	_ =	shalt  }
0x7e: {  	_ =	shalt  }
0x7f: {  	_ =	shalt  }
0x80: {  	_ =	shalt  }
0x81: {  	_ =	shalt  }
0x82: {  	_ =	shalt  }
0x83: {  	_ =	shalt  }
0x84: {  	_ =	shalt  }
0x85: {  	_ =	shalt  }
0x86: {  	_ =	shalt  }
0x87: {  	_ =	shalt  }
.Lfunc_end0:
.L_simem_size_0:
called_computation_lowered:
.L_overlay_start_0:
0x88: {  	s2 =	sld [smem:$0x3FD9]  }
0x89: {  	s3 =	sld [smem:$0x3FFE];
	_ =	sdelay $0x1  }
0x8a: {  	s1 =	srdreg.scid  }
0x8b: {  	s0 =	sand.u32 $0x1, s1  }
0x8c: {  	s17 =	sshll.u32 s0, $0xA;
	s2 =	sadd.s32 s3, s2  }
0x8d: {  	s2 =	sadd.s32 s2, s17  }
0x8e: {  	[smem:$0x3FBD] =	sst s2  }
0x8f: {  	_ = 	snop  }
0x90: {  	s2 =	sld [smem:$0x3FC9]  }
0x91: {  	s18 =	sld [smem:$0x3FC7];
	(tm) =	ssettm $0x1  }
0x92: {  	s4 =	sld [smem:$0x3FFB];
	_ =	sdelay $0x3  }
0x93: {  	_ =	strace s4  }
0x94: {  	s4 =	sld [smem:$0x3FFC];
	_ =	sdelay $0x3  }
0x95: {  	_ =	strace s4  }
0x96: {  	s4 =	sld [smem:$0x3FFD];
	_ =	sdelay $0x3  }
0x97: {  	_ =	strace s4  }
0x98: {  	_ =	strace $0x8FFFFFFF  }
0x99: {  	s19 =	sld [smem:$0x3FDB];
	_ =	sdelay $0x1  }
0x9a: {  	s5 =	simm.s32 $_scs_section_size  }
0x9b: {  	s6 =	simm.s32 $_size__tile_overlayer_lowered;
	s7 =	simm.s32 $_tile_overlayer_lowered  }
0x9c: {  	s22 =	simm.s32 $0x1BFF;
	s21 =	sshll.u32 s7, $0x1;
	s4 =	sadd.s32 s5, s19  }
0x9d: {  	s8 =	simm.s32 $0x0;
	s20 =	sshll.u32 s6, $0x1;
	s6 =	sadd.s32 s21, s4  }
0x9e: {  	[timem:s8], [sflag:s22] =	dma.local [hbm:s6], s20  }
0x9f: {  	_ =	swait.ge [sflag:s22], s20  }
0xa0: {  	s5 =	ssub.s32 $0x0, s20;
	[sflag:s22] =	ssyncset.done $0x0  }
0xa1: {  	[sflag:s22] =	ssyncadd.s32 s5;
	_ =	sdelay $0x1  }
0xa2: {  	s23 =	simm.s32 $0x1B8B  }
0xa3: {  	_ =	swait.ge [sflag:s23], $0x1  }
0xa4: {  	[sflag:s23] =	ssyncset.done $0x0  }
0xa5: {  	s25 =	simm.s32 $0x1B8E;
	s24 =	sld [smem:$0x3FFE];
	[sflag:s23] =	ssyncadd.s32 $0xFFFFFFFF  }
0xa6: {  	s26 =	simm.s32 $execute0_lowered;
	[smem:$0x3FD2] =	sst s25  }
0xa7: {  	s6 =	sshll.u32 s26, $0x1;
	_ =	strace $0x80000046;
	[dreg:$0x1] =	wrdreg $0xFFFFFFFF  }
0xa8: {  	s28 =	simm.s32 $_size_execute0_lowered;
	s4 =	sadd.s32 s4, s6;
	[dreg:$0x0] =	wrdreg $0x0  }
0xa9: {  	s6 =	sshll.u32 s28, $0x1;
	[dreg:$0x2] =	wrdreg s4  }
0xaa: {  	[dreg:$0x3] =	wrdreg s6  }
0xab: {  	[dreg:$0x4] =	wrdreg $0xC0  }
0xac: {  	_ =	task [dreg:s8], $0x5FFFF  }
0xad: {  	[dreg:$0x1] =	wrdreg $0xFFFFFFFF  }
0xae: {  	[dreg:$0x0] =	wrdreg $0x60  }
0xaf: {  	[dreg:$0x2] =	wrdreg s24  }
0xb0: {  	[dreg:$0x3] =	wrdreg s18  }
0xb1: {  	[dreg:$0x4] =	wrdreg s2  }
0xb2: {  	[dreg:$0x5] =	wrdreg $0x9  }
0xb3: {  	_ =	task.clear_ibuf [dreg:s8], $0x6FFFF;
	_ =	strace $0x90000046  }
0xb4: {  	s29 =	simm.s32 $0x9;
	_ =	strace $0x80000048  }
0xb5: {  	_ =	swait.ge [sflag:s29], $0x1  }
0xb6: {  	[sflag:s29] =	ssyncadd.s32 $0xFFFFFFFF  }
0xb7: {  	_ =	strace $0x90000048  }
0xb8: {  	_ =	sfence  }
0xb9: {  	s30 =	sld [smem:$0x0];
	_ =	sdelay $0x2  }
0xba: {  	s31 =	sshll.u32 s1, $0xD;
	s1 =	sshrl.u32 s1, $0x2  }
0xbb: {  	s3 =	sand.u32 $0x4000, s31;
	s1 =	sadd.s32 s1, s30  }
0xbc: {  	s0 =	sor.u32 s3, s0;
	s1 =	sshll.u32 s1, $0x11  }
0xbd: {  	s0 =	sor.u32 s1, s0  }
0xbe: {  	s0 =	sadd.s32 $0x8F2B, s0  }
0xbf: {  	[sflag:s0] =	ssyncadd.remote.s32 $0x1  }
0xc0: {  	_ =	sfence.sel $0xFFFF  }
0xc1: {  	[dreg:$0x0] =	wrdreg $0xFFFFFFFF;
	(pc) =	sbr.abs _section_cstart, $3  }
0xc2: {  	[dreg:$0x1] =	wrdreg $0xFFFFFFFF  }
0xc3: {  	_ =	task.clear_ibuf [dreg:s8], $0x2FFFF;
	_ =	strace $0x9FFFFFFF  }
0xc4: {  	(tm) =	ssettm $0x7FFFFFFF  }
0xc5: {  	_ =	shalt  }
tec
execute0_lowered:
.L_overlay_start_1:
0x0: {  	(tag) =	ssettag $0x1  }
0x1: {  	s0 =	rddreg [dreg:$0x0]  }
0x2: {  	s1 =	srdreg.scid;
	s6 =	rddreg [dreg:$0x1]  }
0x3: {  	s2 =	stileid.u32;
	s7 =	rddreg [dreg:$0x2];
	s12 =	simm.s32 $0x5  }
0x4: {  	s13 =	simm.s32 $0xA600;
	s14 =	simm.s32 $0xB680;
	s15 =	simm.s32 $0x80  }
0x5: {  	s16 =	simm.s32 $0xA680;
	s17 =	simm.s32 $0xB700;
	s18 =	simm.s32 $0x60  }
0x6: {  	s20 =	simm.s32 $0x68;
	s23 =	simm.s32 $0x7D00;
	s25 =	simm.s32 $0x8900  }
0x7: {  	s26 =	simm.s32 $0x1;
	s28 =	simm.s32 $0x2;
	s29 =	simm.s32 $0x3  }
0x8: {  	s1 =	sand.u32 $0x1, s1;
	s3 =	sshll.u32 s2, $0x8;
	s2 =	simm.s32 $0x0  }
0x9: {  	s30 =	simm.s32 $0x4;
	s4 =	sshll.u32 s1, $0x7;
	[smem:$0x7FF] =	sst s2  }
0xa: {  	s1 =	ssub.s32 $0x2, s1;
	s5 =	sor.u32 s4, s3;
	_ =	strace $0x80000047  }
0xb: {  	s4 =	sadd.s32 $0x1314600, s0;
	s10 =	sshrl.u32 s1, $0x1;
	s3 =	smul.u32 $0x19, s5  }
.Ltmp0:
0xc: {  	s9 =	sshll.u32 s5, $0x2;
	s31 =	sshrl.u32 s5, $0x3;
	(pc) =	sbr.rel .LBB2_1-.Ltmp0, $4  }
0xd: {  	s1 =	ssub.s32 s1, s10;
	s6 =	sadd.s32 s6, s31;
	s7 =	sadd.s32 s7, s31  }
0xe: {  	s11 =	smax.u32 s1, $0x1;
	s1 =	simm.s32 $0x0;
	s8 =	sadd.s32 s3, s0  }
0xf: {  	s3 =	sadd.s32 $0xF43C00, s0;
	s0 =	sadd.s32 s9, s0;
	s5 =	sadd.s32 $0x1600, s8  }
0x10: {  	s8 =	sadd.s32 $0x22600, s0;
	s9 =	sadd.s32 $0x1E600, s0;
	s10 =	sadd.s32 $0x1A600, s0  }
.LBB2_8:
0x11: {  	_ =	swait.ge [sflag:s29], $0x1000  }
0x12: {  	[sflag:s29] =	ssyncset.done $0x0  }
0x13: {  	[sflag:s29] =	ssyncadd.s32 $0xFFFFF000  }
0x14: {  	_ =	swait.ge [sflag:s30], $0x1000  }
0x15: {  	[sflag:s30] =	ssyncset.done $0x0  }
0x16: {  	s0 =	simm.s32 $0x9600;
	[sflag:s30] =	ssyncadd.s32 $0xFFFFF000  }
0x17: {  	[hbm4b:s8+s2] =	stream.linear.scatter [tilespmem:s0], [sflag:$0x5], $0x1000, $0x38;
	[tilespmem:$0xC700] =	vst v63  }
0x18: {  	_ =	swait.ge [sflag:s12], $0x1000  }
0x19: {  	[sflag:s12] =	ssyncset.done $0x0  }
0x1a: {  	[sflag:s12] =	ssyncadd.s32 $0xFFFFF000  }
0x1b: {  	[hbm4b:s9+s2] =	stream.linear.scatter [tilespmem:s16], [sflag:$0x5], $0x1000, $0x38;
	[tilespmem:$0xC700] =	vst v63  }
0x1c: {  	s1 =	sadd.s32 $0x1, s1;
	_ =	swait.ge [sflag:s12], $0x1000  }
0x1d: {  	p0 =	sne.s32 s1, s11;
	[sflag:s12] =	ssyncset.done $0x0  }
.Ltmp1:
0x1e: {  	[sflag:s12] =	ssyncadd.s32 $0xFFFFF000;
	(pc) =	sbr.rel @!p0 .LBB2_9-.Ltmp1, $4  }
0x1f: {  	[hbm4b:s10+s2] =	stream.linear.scatter [tilespmem:s17], [sflag:$0x5], $0x1000, $0x38;
	[tilespmem:$0xC700] =	vst v63  }
0x20: {  	_ =	swait.ge [sflag:s12], $0x1000  }
0x21: {  	[sflag:s12] =	ssyncset.done $0x0  }
0x22: {  	[sflag:s12] =	ssyncadd.s32 $0xFFFFF000  }
.LBB2_1:
0x23: {  	[tilespmem:s2], [sflag:$0x5] =	stream.linear.gather [hbm4b:s5+s2], $0x6400, $0x38;
	[tilespmem:$0xC700] =	vst v63  }
0x24: {  	_ =	swait.ge [sflag:s12], $0x6400  }
0x25: {  	[sflag:s12] =	ssyncset.done $0x0  }
0x26: {  	[sflag:s12] =	ssyncadd.s32 $0xFFFF9C00  }
0x27: {  	[tilespmem:s13], [sflag:$0x5] =	stream.linear.gather [hbm4b:s6+s2], $0x80, $0x38;
	[tilespmem:$0xC700] =	vst v63  }
0x28: {  	_ =	swait.ge [sflag:s12], $0x80  }
0x29: {  	[sflag:s12] =	ssyncset.done $0x0  }
0x2a: {  	[sflag:s12] =	ssyncadd.s32 $0xFFFFFF80  }
0x2b: {  	[tilespmem:s14], [sflag:$0x5] =	stream.linear.gather [hbm4b:s7+s2], $0x80, $0x38;
	[tilespmem:$0xC700] =	vst v63  }
0x2c: {  	_ =	swait.ge [sflag:s12], $0x80  }
0x2d: {  	[sflag:s12] =	ssyncset.done $0x0  }
0x2e: {  	[sflag:s12] =	ssyncadd.s32 $0xFFFFFF80  }
0x2f: {  	[tilespmem:s16], [sflag:$0x3] =	stream.indirect.gather [hbm4b:s3+s15], $0x20, s13, s15, $0xb8;
	[tilespmem:$0xC700] =	vst v63  }
0x30: {  	_ = 	snop  }
0x31: {  	[tilespmem:s17], [sflag:$0x4] =	stream.indirect.gather [hbm4b:s4+s15], $0x20, s14, s15, $0xb8;
	[tilespmem:$0xC700] =	vst v63  }
0x32: {  	s0 =	simm.s32 $0x6400  }
0x33: {  	[tilespmem:s0], [sflag:$0x1] =	stream.indirect.gather [hbm4b:s3+s18], $0x20, s2, s18, $0xb8;
	[tilespmem:$0xC700] =	vst v63  }
0x34: {  	s22 =	simm.s32 $0x7000  }
0x35: {  	[tilespmem:s22], [sflag:$0x1] =	stream.indirect.gather [hbm4b:s3+s20], $0x20, s18, s20, $0xb8;
	[tilespmem:$0xC700] =	vst v63  }
0x36: {  	s24 =	simm.s32 $0xC8  }
0x37: {  	[tilespmem:s23], [sflag:$0x2] =	stream.indirect.gather [hbm4b:s3+s18], $0x20, s24, s18, $0xb8;
	[tilespmem:$0xC700] =	vst v63  }
0x38: {  	s31 =	simm.s32 $0x128;
	s0 =	simm.s32 $0x0  }
0x39: {  	[tilespmem:s25], [sflag:$0x2] =	stream.indirect.gather [hbm4b:s3+s20], $0x20, s31, s20, $0xb8;
	[tilespmem:$0xC700] =	vst v63  }
.LBB2_2:
0x3a: {  	_ =	swait.ge [sflag:s26], $0x1900  }
0x3b: {  	[sflag:s26] =	ssyncset.done $0x0  }
0x3c: {  	s19 =	simm.s32 $0x0;
	[sflag:s26] =	ssyncadd.s32 $0xFFFFE700  }
0x3d: {  	v0 =	vld [tilespmem:s19+$0x64C0]  }
0x3e: {  	v1 =	vld [tilespmem:s19+$0x64D0]  }
0x3f: {  	v2 =	vld [tilespmem:s19+$0x6480]  }
0x40: {  	v3 =	vld [tilespmem:s19+$0x6490]  }
0x41: {  	v4 =	vld [tilespmem:s19+$0x6440]  }
0x42: {  	v5 =	vld [tilespmem:s19+$0x6450]  }
0x43: {  	v10 =	vld [tilespmem:s19+$0x6400]  }
0x44: {  	v6 =	vimm.f32 $0.0e+00;
	v11 =	vld [tilespmem:s19+$0x6410]  }
0x45: {  	s21 =	simm.s32 $0x400;
	v7 =	vimm.f32 $0.0e+00;
	v9 =	vimm.f32 $0.0e+00;
	v8 =	vimm.f32 $0.0e+00;
	v12 =	vld [tilespmem:s19+$0x6420]  }
.LBB2_3:
0x46: {  	p0 =	sne.s32 s21, $0x6000;
	v13 =	vld [tilespmem:s19+$0x6430]  }
0x47: {  	v14 =	vld [tilespmem:s19+$0x6460]  }
0x48: {  	v15 =	vld [tilespmem:s19+$0x6470]  }
0x49: {  	v16 =	vld [tilespmem:s19+$0x64A0]  }
0x4a: {  	v6 =	vadd.f32 v10, v6;
	v7 =	vadd.f32 v11, v7;
	v10 =	vld [tilespmem:s19+$0x64B0]  }
0x4b: {  	v9 =	vadd.f32 v12, v9;
	v8 =	vadd.f32 v13, v8;
	v11 =	vld [tilespmem:s19+$0x64E0]  }
0x4c: {  	v4 =	vadd.f32 v4, v6;
	v5 =	vadd.f32 v5, v7;
	v12 =	vld [tilespmem:s19+$0x64F0];
	s19 =	sshra.s32 s21, $0x2  }
0x4d: {  	v6 =	vadd.f32 v14, v9;
	v13 =	vld [tilespmem:s19+$0x64C0];
	v7 =	vadd.f32 v15, v8  }
0x4e: {  	v4 =	vadd.f32 v2, v4;
	v5 =	vadd.f32 v3, v5;
	v14 =	vld [tilespmem:s19+$0x64D0]  }
0x4f: {  	v8 =	vadd.f32 v16, v6;
	v2 =	vld [tilespmem:s19+$0x6480];
	v10 =	vadd.f32 v10, v7  }
0x50: {  	v6 =	vadd.f32 v0, v4;
	v7 =	vadd.f32 v1, v5;
	v3 =	vld [tilespmem:s19+$0x6490]  }
.Ltmp2:
0x51: {  	v9 =	vadd.f32 v11, v8;
	v4 =	vld [tilespmem:s19+$0x6440];
	v8 =	vadd.f32 v12, v10;
	(pc) =	sbr.rel @p0 .LBB2_3-.Ltmp2, $4  }
0x52: {  	v5 =	vld [tilespmem:s19+$0x6450];
	v0 =	vmov v13  }
0x53: {  	v10 =	vld [tilespmem:s19+$0x6400];
	v1 =	vmov v14  }
0x54: {  	v11 =	vld [tilespmem:s19+$0x6410]  }
0x55: {  	s21 =	sadd.s32 $0x400, s21;
	v12 =	vld [tilespmem:s19+$0x6420]  }
0x56: {  	v13 =	vld [tilespmem:s19+$0x6430]  }
0x57: {  	v14 =	vld [tilespmem:s19+$0x6460]  }
0x58: {  	v15 =	vld [tilespmem:s19+$0x6470]  }
0x59: {  	v16 =	vld [tilespmem:s19+$0x64A0]  }
0x5a: {  	v6 =	vadd.f32 v10, v6;
	v10 =	vld [tilespmem:s19+$0x64B0];
	v9 =	vadd.f32 v12, v9  }
0x5b: {  	v7 =	vadd.f32 v11, v7;
	v11 =	vld [tilespmem:s19+$0x64E0];
	v8 =	vadd.f32 v13, v8  }
0x5c: {  	v4 =	vadd.f32 v4, v6;
	v6 =	vld [tilespmem:s19+$0x64F0];
	v9 =	vadd.f32 v14, v9  }
0x5d: {  	v5 =	vadd.f32 v5, v7;
	v7 =	vadd.f32 v15, v8  }
0x5e: {  	v2 =	vadd.f32 v2, v4;
	v4 =	vadd.f32 v16, v9  }
0x5f: {  	v3 =	vadd.f32 v3, v5;
	v5 =	vadd.f32 v10, v7  }
0x60: {  	v0 =	vadd.f32 v0, v2;
	v2 =	vadd.f32 v11, v4  }
0x61: {  	v1 =	vadd.f32 v1, v3;
	v3 =	vadd.f32 v6, v5  }
0x62: {  	v0 =	vadd.f32 v2, v0  }
0x63: {  	p0 =	seq.s32 s0, $0x3F;
	v1 =	vadd.f32 v3, v1  }
0x64: {  	s31 =	sshll.u32 s0, $0x6;
	s21 =	smul.u32 @!p0 $0x640, s0;
	v0 =	vmul.f32 $4.999999890e-03, v0  }
0x65: {  	s19 =	sand.u32 $0x3FFFFFC0, s31;
	v1 =	vmul.f32 $4.999999890e-03, v1  }
0x66: {  	s21 =	sshra.s32 @!p0 s21, $0x2;
	[tilespmem:s19+$0x9600] =	vst v0  }
0x67: {  	s24 =	simm.s32 @!p0 $0x60;
	s22 =	sadd.s32 @!p0 $0x190, s21;
	s31 =	simm.s32 @!p0 $0x6400;
	[tilespmem:s19+$0x9610] =	vst v1  }
0x68: {  	[tilespmem:s31], [sflag:$0x1] =	stream.indirect.gather @!p0 [hbm4b:s3+s24], $0x20, s22, s24, $0xb8;
	[tilespmem:$0xC700] =	vst v63  }
0x69: {  	s21 =	sadd.s32 @!p0 $0x1F0, s21;
	s22 =	simm.s32 @!p0 $0x68;
	s24 =	simm.s32 @!p0 $0x7000  }
0x6a: {  	[tilespmem:s24], [sflag:$0x1] =	stream.indirect.gather @!p0 [hbm4b:s3+s22], $0x20, s21, s22, $0xb8;
	[tilespmem:$0xC700] =	vst v63  }
0x6b: {  	_ =	swait.ge [sflag:s28], $0x1900  }
0x6c: {  	[sflag:s28] =	ssyncset.done $0x0  }
0x6d: {  	s21 =	simm.s32 $0x0;
	[sflag:s28] =	ssyncadd.s32 $0xFFFFE700  }
0x6e: {  	v0 =	vld [tilespmem:s21+$0x7DC0]  }
0x6f: {  	v1 =	vld [tilespmem:s21+$0x7DD0]  }
0x70: {  	v2 =	vld [tilespmem:s21+$0x7D80]  }
0x71: {  	v3 =	vld [tilespmem:s21+$0x7D90]  }
0x72: {  	v4 =	vld [tilespmem:s21+$0x7D40]  }
0x73: {  	v5 =	vld [tilespmem:s21+$0x7D50]  }
0x74: {  	v10 =	vld [tilespmem:s21+$0x7D00]  }
0x75: {  	v8 =	vimm.f32 $0.0e+00;
	v11 =	vld [tilespmem:s21+$0x7D10]  }
0x76: {  	v9 =	vimm.f32 $0.0e+00;
	v7 =	vimm.f32 $0.0e+00;
	v6 =	vimm.f32 $0.0e+00;
	s22 =	simm.s32 $0x400;
	v12 =	vld [tilespmem:s21+$0x7D20]  }
.LBB2_5:
0x77: {  	p1 =	sne.s32 s22, $0x6000;
	v13 =	vld [tilespmem:s21+$0x7D30]  }
0x78: {  	v14 =	vld [tilespmem:s21+$0x7D60]  }
0x79: {  	v15 =	vld [tilespmem:s21+$0x7D70]  }
0x7a: {  	v16 =	vld [tilespmem:s21+$0x7DA0]  }
0x7b: {  	v6 =	vadd.f32 v10, v6;
	v7 =	vadd.f32 v11, v7;
	v10 =	vld [tilespmem:s21+$0x7DB0]  }
0x7c: {  	v9 =	vadd.f32 v12, v9;
	v8 =	vadd.f32 v13, v8;
	v11 =	vld [tilespmem:s21+$0x7DE0]  }
0x7d: {  	v4 =	vadd.f32 v4, v6;
	v5 =	vadd.f32 v5, v7;
	v12 =	vld [tilespmem:s21+$0x7DF0];
	s21 =	sshra.s32 s22, $0x2  }
0x7e: {  	v6 =	vadd.f32 v14, v9;
	v13 =	vld [tilespmem:s21+$0x7DC0];
	v7 =	vadd.f32 v15, v8  }
0x7f: {  	v4 =	vadd.f32 v2, v4;
	v5 =	vadd.f32 v3, v5;
	v14 =	vld [tilespmem:s21+$0x7DD0]  }
0x80: {  	v8 =	vadd.f32 v16, v6;
	v2 =	vld [tilespmem:s21+$0x7D80];
	v10 =	vadd.f32 v10, v7  }
0x81: {  	v6 =	vadd.f32 v0, v4;
	v7 =	vadd.f32 v1, v5;
	v3 =	vld [tilespmem:s21+$0x7D90]  }
.Ltmp3:
0x82: {  	v9 =	vadd.f32 v11, v8;
	v4 =	vld [tilespmem:s21+$0x7D40];
	v8 =	vadd.f32 v12, v10;
	(pc) =	sbr.rel @p1 .LBB2_5-.Ltmp3, $4  }
0x83: {  	v5 =	vld [tilespmem:s21+$0x7D50];
	v0 =	vmov v13  }
0x84: {  	v10 =	vld [tilespmem:s21+$0x7D00];
	v1 =	vmov v14  }
0x85: {  	v11 =	vld [tilespmem:s21+$0x7D10]  }
0x86: {  	s22 =	sadd.s32 $0x400, s22;
	v12 =	vld [tilespmem:s21+$0x7D20]  }
0x87: {  	v13 =	vld [tilespmem:s21+$0x7D30]  }
0x88: {  	v14 =	vld [tilespmem:s21+$0x7D60]  }
0x89: {  	v15 =	vld [tilespmem:s21+$0x7D70]  }
0x8a: {  	v16 =	vld [tilespmem:s21+$0x7DA0]  }
0x8b: {  	v56 =	vld [tilespmem:s21+$0x7DB0];
	v6 =	vadd.f32 v10, v6;
	v9 =	vadd.f32 v12, v9  }
0x8c: {  	v57 =	vld [tilespmem:s21+$0x7DE0];
	v7 =	vadd.f32 v11, v7;
	v8 =	vadd.f32 v13, v8  }
0x8d: {  	v58 =	vld [tilespmem:s21+$0x7DF0];
	v4 =	vadd.f32 v4, v6;
	v9 =	vadd.f32 v14, v9  }
0x8e: {  	v5 =	vadd.f32 v5, v7;
	v59 =	vadd.f32 v15, v8  }
0x8f: {  	v2 =	vadd.f32 v2, v4;
	v60 =	vadd.f32 v16, v9  }
0x90: {  	v3 =	vadd.f32 v3, v5;
	v61 =	vadd.f32 v56, v59  }
0x91: {  	v0 =	vadd.f32 v0, v2;
	v62 =	vadd.f32 v57, v60  }
0x92: {  	v1 =	vadd.f32 v1, v3;
	v63 =	vadd.f32 v58, v61  }
0x93: {  	v0 =	vadd.f32 v62, v0  }
.Ltmp4:
0x94: {  	v1 =	vadd.f32 v63, v1;
	(pc) =	sbr.rel @p0 .LBB2_8-.Ltmp4, $4  }
0x95: {  	v0 =	vmul.f32 $4.999999890e-03, v0  }
0x96: {  	v1 =	vmul.f32 $4.999999890e-03, v1  }
0x97: {  	[tilespmem:s19+$0x9620] =	vst v0  }
0x98: {  	[tilespmem:s19+$0x9630] =	vst v1  }
0x99: {  	s19 =	smul.u32 $0x640, s0;
	_ =	sdelay $0x1  }
.Ltmp5:
0x9a: {  	s19 =	sshra.s32 s19, $0x2;
	(pc) =	sbr.rel .LBB2_2-.Ltmp5, $4  }
0x9b: {  	s21 =	sadd.s32 $0x258, s19  }
0x9c: {  	[tilespmem:s23], [sflag:$0x2] =	stream.indirect.gather [hbm4b:s3+s18], $0x20, s21, s18, $0xb8;
	[tilespmem:$0xC700] =	vst v63  }
0x9d: {  	s0 =	sadd.s32 $0x1, s0;
	s19 =	sadd.s32 $0x2B8, s19  }
0x9e: {  	[tilespmem:s25], [sflag:$0x2] =	stream.indirect.gather [hbm4b:s3+s20], $0x20, s19, s20, $0xb8;
	[tilespmem:$0xC700] =	vst v63  }
.LBB2_9:
0x9f: {  	_ =	sfence.sel $0x180000  }
0xa0: {  	[bflag:$0x0] =	sbarrier.arrive $0xFFFF  }
0xa1: {  	_ =	strace $0x90000047  }
0xa2: {  	s0 =	stileid.u32;
	[bflag:$0x2] =	sbarrier.arrive $0xFFFF  }
0xa3: {  	p0 =	sne.s32 s0, $0x0;
	s0 =	rddreg [dreg:$0x3]  }
0xa4: {  	s0 =	sadd.s32 @!p0 $0x100000, s0  }
0xa5: {  	[sflag:s0] =	ssyncadd.tile.s32 @!p0 $0x1;
	_ =	shalt  }
.Lfunc_end2:
_tile_overlayer_lowered:
.L_overlay_start_2:
0xa6: {  	(tag) =	ssettag $0x2  }
0xa7: {  	s0 =	rddreg [dreg:$0x0];
	s2 =	stileid.u32  }
0xa8: {  	s1 =	rddreg [dreg:$0x1];
	p0 =	sne.s32 s2, $0x0  }
0xa9: {  	s3 =	rddreg [dreg:$0x2];
	[bflag:$0x3] =	sbarrier.arrive $0xFFFF;
	s2 =	simm.s32 @!p0 $0x1C05  }
0xaa: {  	[timem:s3], [sflag:s2] =	dma.local @!p0 [hbm:s0], s1  }
0xab: {  	s0 =	simm.s32 @!p0 $0x5  }
0xac: {  	_ =	swait.ge @!p0 [sflag:s0], s1  }
0xad: {  	s1 =	ssub.s32 @!p0 $0x0, s1;
	[sflag:s0] =	ssyncset.done @!p0 $0x0  }
0xae: {  	[sflag:s0] =	ssyncadd.s32 @!p0 s1  }
0xaf: {  	[bflag:$0x3] =	sbarrier.arrive $0xFFFF  }
0xb0: {  	_ =	shalt  }

</sc_bundles>
